<compile_context>
chip_gen: v7x
topology: tpu7x:2x2x1
jax: 0.10.2.dev20260603
libtpu: 0.0.44.dev20260713+nightly
codegen_flags: <defaults>
</compile_context>

<pallas_src>
import functools

import jax
import jax.numpy as jnp
from jax import lax
from jax.experimental import pallas as pl
from jax.experimental.pallas import tpu as pltpu
from jax.experimental.pallas import tpu_sc as plsc

NN = 10000
NE = 320000
D = 128
DE = 16
M = 4
NNP = 10240
NEP = 327680
NWK = 32
EPW = NEP // NWK
CS = 1024
NCH = EPW // CS
ACCR = NNP * M // 128

f32 = jnp.float32
i32 = jnp.int32




def _stage_a1_body(nf_ref, *refs):
    w_refs, out_refs = refs[:2 * M], refs[2 * M:]
    nfa = nf_ref[...]
    for c in range(2 * M):
        out_refs[c][...] = lax.squeeze(
            lax.dot_general(nfa, w_refs[c][...], (((1,), (0,)), ((), ())),
                            preferred_element_type=f32), [1])


def _stage_a1(nfa, wcols):
    return pl.pallas_call(
        _stage_a1_body,
        grid=(1,),
        in_specs=[pl.BlockSpec((NNP, D + 1), lambda i: (0, 0))]
        + [pl.BlockSpec((D + 1, 1), lambda i: (0, 0))] * (2 * M),
        out_specs=[pl.BlockSpec((NNP,), lambda i: (0,))] * (2 * M),
        out_shape=[jax.ShapeDtypeStruct((NNP,), f32)] * (2 * M),
    )(nfa, *wcols)




def _stage_a2_body(ef_ref, *refs):
    w_refs, out_refs = refs[:M], refs[M:]
    efa = ef_ref[...]
    for c in range(M):
        out_refs[c][...] = lax.squeeze(
            lax.dot_general(efa, w_refs[c][...], (((1,), (0,)), ((), ())),
                            preferred_element_type=f32), [1])


def _stage_a2(efp, w2cols):
    grid = 160
    eb = NEP // grid
    return pl.pallas_call(
        _stage_a2_body,
        grid=(grid,),
        in_specs=[pl.BlockSpec((eb, DE), lambda i: (i, 0))]
        + [pl.BlockSpec((DE, 1), lambda i: (0, 0))] * M,
        out_specs=[pl.BlockSpec((eb,), lambda i: (i,))] * M,
        out_shape=[jax.ShapeDtypeStruct((NEP,), f32)] * M,
    )(efp, *w2cols)




def _sc_messages(pcs, ecs, i0, i1):
    mesh = plsc.VectorSubcoreMesh(core_axis_name="c", subcore_axis_name="s")

    @functools.partial(
        pl.kernel,
        mesh=mesh,
        compiler_params=pltpu.CompilerParams(needs_layout_passes=False),
        out_type=jax.ShapeDtypeStruct((NWK, NNP * M), f32),
        scratch_types=(
            [pltpu.VMEM((NNP,), f32)] * (2 * M)
            + [pltpu.VMEM((CS,), f32)] * M
            + [
                pltpu.VMEM((CS,), i32),
                pltpu.VMEM((CS,), i32),
                pltpu.VMEM((NNP * M,), f32),
            ]
        ),
    )
    def k(p0_hbm, p1_hbm, p2_hbm, p3_hbm, p4_hbm, p5_hbm, p6_hbm, p7_hbm,
          e0_hbm, e1_hbm, e2_hbm, e3_hbm, i0_hbm, i1_hbm, out_hbm,
          p0_v, p1_v, p2_v, p3_v, p4_v, p5_v, p6_v, p7_v,
          e0_v, e1_v, e2_v, e3_v, i0_v, i1_v, acc_v):
        p_hbm = [p0_hbm, p1_hbm, p2_hbm, p3_hbm, p4_hbm, p5_hbm, p6_hbm,
                 p7_hbm]
        e_hbm = [e0_hbm, e1_hbm, e2_hbm, e3_hbm]
        p_v = [p0_v, p1_v, p2_v, p3_v, p4_v, p5_v, p6_v, p7_v]
        e_v = [e0_v, e1_v, e2_v, e3_v]

        cid = lax.axis_index("c")
        sid = lax.axis_index("s")
        wid = cid * 16 + sid

        zero16 = jnp.zeros((16,), f32)

        def zero_body(r, c2):
            for c in range(8):
                acc_v[pl.ds(r * 128 + c * 16, 16)] = zero16
            return c2

        lax.fori_loop(0, NNP * M // 128, zero_body, 0)
        for c in range(2 * M):
            pltpu.sync_copy(p_hbm[c], p_v[c])

        def group_body(g, c2):
            off = g * 16
            iv0 = i0_v[pl.ds(off, 16)]
            iv1 = i1_v[pl.ds(off, 16)]
            ps = []
            for c in range(M):
                p = (plsc.load_gather(p_v[c], [iv0])
                     + plsc.load_gather(p_v[c + M], [iv1])
                     + e_v[c][pl.ds(off, 16)])
                ps.append(jnp.where(p >= 0.0, p, p * 0.01))
            mx = jnp.maximum(jnp.maximum(ps[0], ps[1]),
                             jnp.maximum(ps[2], ps[3]))
            es = [jnp.exp(p - mx) for p in ps]
            inv = 1.0 / (es[0] + es[1] + es[2] + es[3])
            n4 = iv0 * M
            for c in range(M):
                plsc.addupdate_scatter(acc_v, [n4 + c], es[c] * inv)
            return c2

        def chunk_body(t, carry):
            base = wid * EPW + t * CS
            pltpu.sync_copy(i0_hbm.at[pl.ds(base, CS)], i0_v)
            pltpu.sync_copy(i1_hbm.at[pl.ds(base, CS)], i1_v)
            for c in range(M):
                pltpu.sync_copy(e_hbm[c].at[pl.ds(base, CS)], e_v[c])
            lax.fori_loop(0, CS // 16, group_body, 0)
            return carry

        lax.fori_loop(0, NCH, chunk_body, 0)

        pltpu.sync_copy(acc_v, out_hbm.at[wid])

    return k(*pcs, *ecs, i0, i1)




def _stage_r_body(acc_ref, out_ref):
    out_ref[...] = jnp.sum(acc_ref[...], axis=0)


def _stage_r(acc):
    grid = 5
    rb = ACCR // grid
    return pl.pallas_call(
        _stage_r_body,
        grid=(grid,),
        in_specs=[pl.BlockSpec((NWK, rb, 128), lambda i: (0, i, 0))],
        out_specs=pl.BlockSpec((rb, 128), lambda i: (i, 0)),
        out_shape=jax.ShapeDtypeStruct((ACCR, 128), f32),
    )(acc)




def _stage_c_body(nf_ref, acc_ref, wn_ref, wm_ref, b_ref, z_ref):
    a = acc_ref[...]
    z_ref[...] = (
        lax.dot_general(nf_ref[...], wn_ref[...], (((1,), (0,)), ((), ())),
                        preferred_element_type=f32)
        + lax.dot_general(a, wm_ref[...], (((1,), (0,)), ((), ())),
                          preferred_element_type=f32)
        + b_ref[...])


def _stage_c(nf, msum, wn, wm, b):
    grid = 5
    nb = 2048
    return pl.pallas_call(
        _stage_c_body,
        grid=(grid,),
        in_specs=[
            pl.BlockSpec((nb, D), lambda i: (i, 0)),
            pl.BlockSpec((nb, M), lambda i: (i, 0)),
            pl.BlockSpec((D, D), lambda i: (0, 0)),
            pl.BlockSpec((M, D), lambda i: (0, 0)),
            pl.BlockSpec((1, D), lambda i: (0, 0)),
        ],
        out_specs=pl.BlockSpec((nb, D), lambda i: (i, 0)),
        out_shape=jax.ShapeDtypeStruct((NN, D), f32),
    )(nf, msum, wn, wm, b)




def kernel(node_features, edge_node_indices, edge_features, fe_W, fe_b, fh_W, fh_b):
    nf = node_features.astype(f32)
    idx0 = jnp.concatenate([edge_node_indices[0].astype(i32),
                            jnp.full((NEP - NE,), NN, i32)])
    idx1 = jnp.concatenate([edge_node_indices[1].astype(i32),
                            jnp.zeros((NEP - NE,), i32)])
    ef = edge_features.astype(f32)

    wcat = jnp.concatenate([fe_W[:D], fe_W[D:2 * D]], axis=1)
    brow = jnp.concatenate([fe_b, jnp.zeros((M,), f32)]).reshape(1, 2 * M)
    wcat_aug = jnp.concatenate([wcat, brow], axis=0)
    nfa = jnp.pad(jnp.concatenate([nf, jnp.ones((NN, 1), f32)], axis=1),
                  ((0, NNP - NN), (0, 0)))
    wcols = [wcat_aug[:, c:c + 1] for c in range(2 * M)]
    w2cols = [fe_W[2 * D:, c:c + 1] for c in range(M)]

    efp = jnp.pad(ef, ((0, NEP - NE), (0, 0)))

    pcs = _stage_a1(nfa, wcols)
    ecs = _stage_a2(efp, w2cols)

    acc32 = _sc_messages(pcs, ecs, idx0, idx1).reshape(NWK, ACCR, 128)
    msum = _stage_r(acc32).reshape(NNP, M)[:NN]

    return _stage_c(nf, msum, fh_W[:D], fh_W[D:], fh_b.reshape(1, D))

# --- scband reference (transcript-rebuilt; emitter-appended) ---
"""Pipeline reference for scband-simple-message-layer-13056700579877 (READ-ONLY COPY).

The authoritative reference and input builder live on the scoring server;
editing this copy changes nothing except your own understanding.
"""

import jax, jax.numpy as jnp
import numpy as np

N_NODES = 10000
N_EDGES = 320000
D_FEAT = 128
D_EDGE = 16
MSG = 4


def setup_inputs(seed: int = 0) -> dict:
    key = jax.random.key(seed)
    k1, k2, k3, k4, k5, k6, k7 = jax.random.split(key, 7)
    node_features = jax.random.normal(k1, (N_NODES, D_FEAT), dtype=jnp.float32)
    edge_node_indices = jax.random.randint(k2, (2, N_EDGES), 0, N_NODES, dtype=jnp.int64 if jax.config.read('jax_enable_x64') else jnp.int32)
    edge_features = jax.random.normal(k3, (N_EDGES, D_EDGE), dtype=jnp.float32)
    edge_in = 2 * D_FEAT + D_EDGE
    node_in = D_FEAT + MSG
    fe_W = jax.random.normal(k4, (edge_in, MSG), dtype=jnp.float32) / np.sqrt(edge_in)
    fe_b = jax.random.normal(k5, (MSG,), dtype=jnp.float32) * 0.01
    fh_W = jax.random.normal(k6, (node_in, D_FEAT), dtype=jnp.float32) / np.sqrt(node_in)
    fh_b = jax.random.normal(k7, (D_FEAT,), dtype=jnp.float32) * 0.01
    return {
        'node_features': node_features,
        'edge_node_indices': edge_node_indices,
        'edge_features': edge_features,
        'fe_W': fe_W,
        'fe_b': fe_b,
        'fh_W': fh_W,
        'fh_b': fh_b,
    }


def reference(node_features, edge_node_indices, edge_features, fe_W, fe_b, fh_W, fh_b):
    node0_indices = edge_node_indices[0]
    node1_indices = edge_node_indices[1]
    ef = edge_features
    if ef.ndim == 1:
        ef = ef[:, None]
    node0_features = jnp.take(node_features, node0_indices, axis=0)
    node1_features = jnp.take(node_features, node1_indices, axis=0)
    message_input = jnp.concatenate([node0_features, node1_features, ef], axis=1)
    pre = jax.nn.leaky_relu(message_input @ fe_W + fe_b, negative_slope=0.01)
    messages_per_neighbour = jax.nn.softmax(pre, axis=1)
    message_sums_per_node = jax.ops.segment_sum(messages_per_neighbour, node0_indices, num_segments=node_features.shape[0])
    node_input = jnp.concatenate([node_features, message_sums_per_node], axis=1)
    z = node_input @ fh_W + fh_b
    return z

if __name__ == "__main__":
    import jax
    _d = setup_inputs()
    print(jax.jit(kernel)(*tuple(_d.values())))

</pallas_src>

<mosaic_0001>
#map = affine_map<(d0, d1) -> (0)>
#map1 = affine_map<(d0, d1) -> (0, 0)>
module attributes {stable_mosaic.version = 14 : i64} {
  func.func @k(%arg0: i32, %arg1: i32, %arg2: memref<10240xf32, #tpu.memory_space<hbm>>, %arg3: memref<10240xf32, #tpu.memory_space<hbm>>, %arg4: memref<10240xf32, #tpu.memory_space<hbm>>, %arg5: memref<10240xf32, #tpu.memory_space<hbm>>, %arg6: memref<10240xf32, #tpu.memory_space<hbm>>, %arg7: memref<10240xf32, #tpu.memory_space<hbm>>, %arg8: memref<10240xf32, #tpu.memory_space<hbm>>, %arg9: memref<10240xf32, #tpu.memory_space<hbm>>, %arg10: memref<327680xf32, #tpu.memory_space<hbm>>, %arg11: memref<327680xf32, #tpu.memory_space<hbm>>, %arg12: memref<327680xf32, #tpu.memory_space<hbm>>, %arg13: memref<327680xf32, #tpu.memory_space<hbm>>, %arg14: memref<327680xi32, #tpu.memory_space<hbm>>, %arg15: memref<327680xi32, #tpu.memory_space<hbm>>, %arg16: memref<32x40960xf32, #tpu.memory_space<hbm>>, %arg17: memref<10240xf32, #tpu.memory_space<vmem>>, %arg18: memref<10240xf32, #tpu.memory_space<vmem>>, %arg19: memref<10240xf32, #tpu.memory_space<vmem>>, %arg20: memref<10240xf32, #tpu.memory_space<vmem>>, %arg21: memref<10240xf32, #tpu.memory_space<vmem>>, %arg22: memref<10240xf32, #tpu.memory_space<vmem>>, %arg23: memref<10240xf32, #tpu.memory_space<vmem>>, %arg24: memref<10240xf32, #tpu.memory_space<vmem>>, %arg25: memref<1024xf32, #tpu.memory_space<vmem>>, %arg26: memref<1024xf32, #tpu.memory_space<vmem>>, %arg27: memref<1024xf32, #tpu.memory_space<vmem>>, %arg28: memref<1024xf32, #tpu.memory_space<vmem>>, %arg29: memref<1024xi32, #tpu.memory_space<vmem>>, %arg30: memref<1024xi32, #tpu.memory_space<vmem>>, %arg31: memref<40960xf32, #tpu.memory_space<vmem>>) attributes {dimension_semantics = [#tpu.dimension_semantics<core_parallel>, #tpu.dimension_semantics<subcore_parallel>], iteration_bounds = array<i64: 2, 16>, scalar_prefetch = 0 : i64, scratch_operands = 15 : i64, tpu.core_type = #tpu.core_type<sc_vector_subcore>, window_params = [{transform_indices = #map}, {transform_indices = #map}, {transform_indices = #map}, {transform_indices = #map}, {transform_indices = #map}, {transform_indices = #map}, {transform_indices = #map}, {transform_indices = #map}, {transform_indices = #map}, {transform_indices = #map}, {transform_indices = #map}, {transform_indices = #map}, {transform_indices = #map}, {transform_indices = #map}, {transform_indices = #map1}]} {
    %mul3A = arith.constant 16 : i32
    %mul3A_0 = arith.muli %arg0, %mul3A : i32
    %add3A = arith.addi %mul3A_0, %arg1 : i32
    %broadcast_in_dim3A = arith.constant 0.000000e+00 : f32
    %broadcast_in_dim3A_1 = vector.broadcast %broadcast_in_dim3A : f32 to vector<16xf32>
    %scan3A = arith.constant 0 : i32
    %scan3A_2 = arith.constant 0 : i32
    %scan3A_3 = arith.constant 320 : i32
    %scan3A_4 = arith.addi %scan3A_2, %scan3A_3 : i32
    %scan3A_5 = arith.constant 1 : i32
    scf.for %scan3A_13 = %scan3A_2 to %scan3A_4 step %scan3A_5  : i32 {
      %mul3A_14 = arith.constant 128 : i32
      %mul3A_15 = arith.muli %scan3A_13, %mul3A_14 : i32
      %add3A_16 = arith.constant 0 : i32
      %add3A_17 = arith.addi %mul3A_15, %add3A_16 : i32
      %swap3A = arith.index_cast %add3A_17 : i32 to index
      %swap3A_18 = tpu.vector_load %arg31[%swap3A] {strides = array<i32>} : memref<40960xf32, #tpu.memory_space<vmem>>, vector<16xf32>,
      tpu.vector_store %arg31[%swap3A], %broadcast_in_dim3A_1 {strides = array<i32>} : memref<40960xf32, #tpu.memory_space<vmem>>, vector<16xf32>,
      %mul3A_19 = arith.constant 128 : i32
      %mul3A_20 = arith.muli %scan3A_13, %mul3A_19 : i32
      %add3A_21 = arith.constant 16 : i32
      %add3A_22 = arith.addi %mul3A_20, %add3A_21 : i32
      %swap3A_23 = arith.index_cast %add3A_22 : i32 to index
      %swap3A_24 = tpu.vector_load %arg31[%swap3A_23] {strides = array<i32>} : memref<40960xf32, #tpu.memory_space<vmem>>, vector<16xf32>,
      tpu.vector_store %arg31[%swap3A_23], %broadcast_in_dim3A_1 {strides = array<i32>} : memref<40960xf32, #tpu.memory_space<vmem>>, vector<16xf32>,
      %mul3A_25 = arith.constant 128 : i32
      %mul3A_26 = arith.muli %scan3A_13, %mul3A_25 : i32
      %add3A_27 = arith.constant 32 : i32
      %add3A_28 = arith.addi %mul3A_26, %add3A_27 : i32
      %swap3A_29 = arith.index_cast %add3A_28 : i32 to index
      %swap3A_30 = tpu.vector_load %arg31[%swap3A_29] {strides = array<i32>} : memref<40960xf32, #tpu.memory_space<vmem>>, vector<16xf32>,
      tpu.vector_store %arg31[%swap3A_29], %broadcast_in_dim3A_1 {strides = array<i32>} : memref<40960xf32, #tpu.memory_space<vmem>>, vector<16xf32>,
      %mul3A_31 = arith.constant 128 : i32
      %mul3A_32 = arith.muli %scan3A_13, %mul3A_31 : i32
      %add3A_33 = arith.constant 48 : i32
      %add3A_34 = arith.addi %mul3A_32, %add3A_33 : i32
      %swap3A_35 = arith.index_cast %add3A_34 : i32 to index
      %swap3A_36 = tpu.vector_load %arg31[%swap3A_35] {strides = array<i32>} : memref<40960xf32, #tpu.memory_space<vmem>>, vector<16xf32>,
      tpu.vector_store %arg31[%swap3A_35], %broadcast_in_dim3A_1 {strides = array<i32>} : memref<40960xf32, #tpu.memory_space<vmem>>, vector<16xf32>,
      %mul3A_37 = arith.constant 128 : i32
      %mul3A_38 = arith.muli %scan3A_13, %mul3A_37 : i32
      %add3A_39 = arith.constant 64 : i32
      %add3A_40 = arith.addi %mul3A_38, %add3A_39 : i32
      %swap3A_41 = arith.index_cast %add3A_40 : i32 to index
      %swap3A_42 = tpu.vector_load %arg31[%swap3A_41] {strides = array<i32>} : memref<40960xf32, #tpu.memory_space<vmem>>, vector<16xf32>,
      tpu.vector_store %arg31[%swap3A_41], %broadcast_in_dim3A_1 {strides = array<i32>} : memref<40960xf32, #tpu.memory_space<vmem>>, vector<16xf32>,
      %mul3A_43 = arith.constant 128 : i32
      %mul3A_44 = arith.muli %scan3A_13, %mul3A_43 : i32
      %add3A_45 = arith.constant 80 : i32
      %add3A_46 = arith.addi %mul3A_44, %add3A_45 : i32
      %swap3A_47 = arith.index_cast %add3A_46 : i32 to index
      %swap3A_48 = tpu.vector_load %arg31[%swap3A_47] {strides = array<i32>} : memref<40960xf32, #tpu.memory_space<vmem>>, vector<16xf32>,
      tpu.vector_store %arg31[%swap3A_47], %broadcast_in_dim3A_1 {strides = array<i32>} : memref<40960xf32, #tpu.memory_space<vmem>>, vector<16xf32>,
      %mul3A_49 = arith.constant 128 : i32
      %mul3A_50 = arith.muli %scan3A_13, %mul3A_49 : i32
      %add3A_51 = arith.constant 96 : i32
      %add3A_52 = arith.addi %mul3A_50, %add3A_51 : i32
      %swap3A_53 = arith.index_cast %add3A_52 : i32 to index
      %swap3A_54 = tpu.vector_load %arg31[%swap3A_53] {strides = array<i32>} : memref<40960xf32, #tpu.memory_space<vmem>>, vector<16xf32>,
      tpu.vector_store %arg31[%swap3A_53], %broadcast_in_dim3A_1 {strides = array<i32>} : memref<40960xf32, #tpu.memory_space<vmem>>, vector<16xf32>,
      %mul3A_55 = arith.constant 128 : i32
      %mul3A_56 = arith.muli %scan3A_13, %mul3A_55 : i32
      %add3A_57 = arith.constant 112 : i32
      %add3A_58 = arith.addi %mul3A_56, %add3A_57 : i32
      %swap3A_59 = arith.index_cast %add3A_58 : i32 to index
      %swap3A_60 = tpu.vector_load %arg31[%swap3A_59] {strides = array<i32>} : memref<40960xf32, #tpu.memory_space<vmem>>, vector<16xf32>,
      tpu.vector_store %arg31[%swap3A_59], %broadcast_in_dim3A_1 {strides = array<i32>} : memref<40960xf32, #tpu.memory_space<vmem>>, vector<16xf32>,
    }
    %scan3A_6 = arith.constant 320 : i32
    "tpu.region"() ({
      %run_scoped3A = tpu.sem_alloc : memref<!tpu.dma_semaphore, #tpu.memory_space<semaphore_mem>>
      tpu.enqueue_dma source(%arg2 : memref<10240xf32, #tpu.memory_space<hbm>>) target(%arg17 : memref<10240xf32, #tpu.memory_space<vmem>>) target_semaphore(%run_scoped3A : memref<!tpu.dma_semaphore, #tpu.memory_space<semaphore_mem>>)
      tpu.wait_dma2 semaphore(%run_scoped3A : memref<!tpu.dma_semaphore, #tpu.memory_space<semaphore_mem>>) src(%arg2 : memref<10240xf32, #tpu.memory_space<hbm>>) dst(%arg17 : memref<10240xf32, #tpu.memory_space<vmem>>)
      tpu.yield
    }) : () -> ()
    "tpu.region"() ({
      %run_scoped3A = tpu.sem_alloc : memref<!tpu.dma_semaphore, #tpu.memory_space<semaphore_mem>>
      tpu.enqueue_dma source(%arg3 : memref<10240xf32, #tpu.memory_space<hbm>>) target(%arg18 : memref<10240xf32, #tpu.memory_space<vmem>>) target_semaphore(%run_scoped3A : memref<!tpu.dma_semaphore, #tpu.memory_space<semaphore_mem>>)
      tpu.wait_dma2 semaphore(%run_scoped3A : memref<!tpu.dma_semaphore, #tpu.memory_space<semaphore_mem>>) src(%arg3 : memref<10240xf32, #tpu.memory_space<hbm>>) dst(%arg18 : memref<10240xf32, #tpu.memory_space<vmem>>)
      tpu.yield
    }) : () -> ()
    "tpu.region"() ({
      %run_scoped3A = tpu.sem_alloc : memref<!tpu.dma_semaphore, #tpu.memory_space<semaphore_mem>>
      tpu.enqueue_dma source(%arg4 : memref<10240xf32, #tpu.memory_space<hbm>>) target(%arg19 : memref<10240xf32, #tpu.memory_space<vmem>>) target_semaphore(%run_scoped3A : memref<!tpu.dma_semaphore, #tpu.memory_space<semaphore_mem>>)
      tpu.wait_dma2 semaphore(%run_scoped3A : memref<!tpu.dma_semaphore, #tpu.memory_space<semaphore_mem>>) src(%arg4 : memref<10240xf32, #tpu.memory_space<hbm>>) dst(%arg19 : memref<10240xf32, #tpu.memory_space<vmem>>)
      tpu.yield
    }) : () -> ()
    "tpu.region"() ({
      %run_scoped3A = tpu.sem_alloc : memref<!tpu.dma_semaphore, #tpu.memory_space<semaphore_mem>>
      tpu.enqueue_dma source(%arg5 : memref<10240xf32, #tpu.memory_space<hbm>>) target(%arg20 : memref<10240xf32, #tpu.memory_space<vmem>>) target_semaphore(%run_scoped3A : memref<!tpu.dma_semaphore, #tpu.memory_space<semaphore_mem>>)
      tpu.wait_dma2 semaphore(%run_scoped3A : memref<!tpu.dma_semaphore, #tpu.memory_space<semaphore_mem>>) src(%arg5 : memref<10240xf32, #tpu.memory_space<hbm>>) dst(%arg20 : memref<10240xf32, #tpu.memory_space<vmem>>)
      tpu.yield
    }) : () -> ()
    "tpu.region"() ({
      %run_scoped3A = tpu.sem_alloc : memref<!tpu.dma_semaphore, #tpu.memory_space<semaphore_mem>>
      tpu.enqueue_dma source(%arg6 : memref<10240xf32, #tpu.memory_space<hbm>>) target(%arg21 : memref<10240xf32, #tpu.memory_space<vmem>>) target_semaphore(%run_scoped3A : memref<!tpu.dma_semaphore, #tpu.memory_space<semaphore_mem>>)
      tpu.wait_dma2 semaphore(%run_scoped3A : memref<!tpu.dma_semaphore, #tpu.memory_space<semaphore_mem>>) src(%arg6 : memref<10240xf32, #tpu.memory_space<hbm>>) dst(%arg21 : memref<10240xf32, #tpu.memory_space<vmem>>)
      tpu.yield
    }) : () -> ()
    "tpu.region"() ({
      %run_scoped3A = tpu.sem_alloc : memref<!tpu.dma_semaphore, #tpu.memory_space<semaphore_mem>>
      tpu.enqueue_dma source(%arg7 : memref<10240xf32, #tpu.memory_space<hbm>>) target(%arg22 : memref<10240xf32, #tpu.memory_space<vmem>>) target_semaphore(%run_scoped3A : memref<!tpu.dma_semaphore, #tpu.memory_space<semaphore_mem>>)
      tpu.wait_dma2 semaphore(%run_scoped3A : memref<!tpu.dma_semaphore, #tpu.memory_space<semaphore_mem>>) src(%arg7 : memref<10240xf32, #tpu.memory_space<hbm>>) dst(%arg22 : memref<10240xf32, #tpu.memory_space<vmem>>)
      tpu.yield
    }) : () -> ()
    "tpu.region"() ({
      %run_scoped3A = tpu.sem_alloc : memref<!tpu.dma_semaphore, #tpu.memory_space<semaphore_mem>>
      tpu.enqueue_dma source(%arg8 : memref<10240xf32, #tpu.memory_space<hbm>>) target(%arg23 : memref<10240xf32, #tpu.memory_space<vmem>>) target_semaphore(%run_scoped3A : memref<!tpu.dma_semaphore, #tpu.memory_space<semaphore_mem>>)
      tpu.wait_dma2 semaphore(%run_scoped3A : memref<!tpu.dma_semaphore, #tpu.memory_space<semaphore_mem>>) src(%arg8 : memref<10240xf32, #tpu.memory_space<hbm>>) dst(%arg23 : memref<10240xf32, #tpu.memory_space<vmem>>)
      tpu.yield
    }) : () -> ()
    "tpu.region"() ({
      %run_scoped3A = tpu.sem_alloc : memref<!tpu.dma_semaphore, #tpu.memory_space<semaphore_mem>>
      tpu.enqueue_dma source(%arg9 : memref<10240xf32, #tpu.memory_space<hbm>>) target(%arg24 : memref<10240xf32, #tpu.memory_space<vmem>>) target_semaphore(%run_scoped3A : memref<!tpu.dma_semaphore, #tpu.memory_space<semaphore_mem>>)
      tpu.wait_dma2 semaphore(%run_scoped3A : memref<!tpu.dma_semaphore, #tpu.memory_space<semaphore_mem>>) src(%arg9 : memref<10240xf32, #tpu.memory_space<hbm>>) dst(%arg24 : memref<10240xf32, #tpu.memory_space<vmem>>)
      tpu.yield
    }) : () -> ()
    %scan3A_7 = arith.constant 0 : i32
    %scan3A_8 = arith.constant 0 : i32
    %scan3A_9 = arith.constant 10 : i32
    %scan3A_10 = arith.addi %scan3A_8, %scan3A_9 : i32
    %scan3A_11 = arith.constant 1 : i32
    scf.for %scan3A_13 = %scan3A_8 to %scan3A_10 step %scan3A_11  : i32 {
      %mul3A_14 = arith.constant 10240 : i32
      %mul3A_15 = arith.muli %add3A, %mul3A_14 : i32
      %mul3A_16 = arith.constant 1024 : i32
      %mul3A_17 = arith.muli %scan3A_13, %mul3A_16 : i32
      %add3A_18 = arith.addi %mul3A_15, %mul3A_17 : i32
      "tpu.region"() ({
        %run_scoped3A = tpu.sem_alloc : memref<!tpu.dma_semaphore, #tpu.memory_space<semaphore_mem>>
        %dma_start3A = tpu.memref_slice %arg14[%add3A_18] : memref<327680xi32, #tpu.memory_space<hbm>> -> memref<1024xi32, #tpu.memory_space<hbm>>
        %dma_start3A_25 = tpu.memref_slice %arg14[%add3A_18] : memref<327680xi32, #tpu.memory_space<hbm>> -> memref<1024xi32, #tpu.memory_space<hbm>>
        tpu.enqueue_dma source(%dma_start3A_25 : memref<1024xi32, #tpu.memory_space<hbm>>) target(%arg29 : memref<1024xi32, #tpu.memory_space<vmem>>) target_semaphore(%run_scoped3A : memref<!tpu.dma_semaphore, #tpu.memory_space<semaphore_mem>>)
        %dma_wait3A = tpu.memref_slice %arg14[%add3A_18] : memref<327680xi32, #tpu.memory_space<hbm>> -> memref<1024xi32, #tpu.memory_space<hbm>>
        %dma_wait3A_26 = tpu.memref_slice %arg14[%add3A_18] : memref<327680xi32, #tpu.memory_space<hbm>> -> memref<1024xi32, #tpu.memory_space<hbm>>
        tpu.wait_dma2 semaphore(%run_scoped3A : memref<!tpu.dma_semaphore, #tpu.memory_space<semaphore_mem>>) src(%dma_wait3A_26 : memref<1024xi32, #tpu.memory_space<hbm>>) dst(%arg29 : memref<1024xi32, #tpu.memory_space<vmem>>)
        tpu.yield
      }) : () -> ()
      "tpu.region"() ({
        %run_scoped3A = tpu.sem_alloc : memref<!tpu.dma_semaphore, #tpu.memory_space<semaphore_mem>>
        %dma_start3A = tpu.memref_slice %arg15[%add3A_18] : memref<327680xi32, #tpu.memory_space<hbm>> -> memref<1024xi32, #tpu.memory_space<hbm>>
        %dma_start3A_25 = tpu.memref_slice %arg15[%add3A_18] : memref<327680xi32, #tpu.memory_space<hbm>> -> memref<1024xi32, #tpu.memory_space<hbm>>
        tpu.enqueue_dma source(%dma_start3A_25 : memref<1024xi32, #tpu.memory_space<hbm>>) target(%arg30 : memref<1024xi32, #tpu.memory_space<vmem>>) target_semaphore(%run_scoped3A : memref<!tpu.dma_semaphore, #tpu.memory_space<semaphore_mem>>)
        %dma_wait3A = tpu.memref_slice %arg15[%add3A_18] : memref<327680xi32, #tpu.memory_space<hbm>> -> memref<1024xi32, #tpu.memory_space<hbm>>
        %dma_wait3A_26 = tpu.memref_slice %arg15[%add3A_18] : memref<327680xi32, #tpu.memory_space<hbm>> -> memref<1024xi32, #tpu.memory_space<hbm>>
        tpu.wait_dma2 semaphore(%run_scoped3A : memref<!tpu.dma_semaphore, #tpu.memory_space<semaphore_mem>>) src(%dma_wait3A_26 : memref<1024xi32, #tpu.memory_space<hbm>>) dst(%arg30 : memref<1024xi32, #tpu.memory_space<vmem>>)
        tpu.yield
      }) : () -> ()
      "tpu.region"() ({
        %run_scoped3A = tpu.sem_alloc : memref<!tpu.dma_semaphore, #tpu.memory_space<semaphore_mem>>
        %dma_start3A = tpu.memref_slice %arg10[%add3A_18] : memref<327680xf32, #tpu.memory_space<hbm>> -> memref<1024xf32, #tpu.memory_space<hbm>>
        %dma_start3A_25 = tpu.memref_slice %arg10[%add3A_18] : memref<327680xf32, #tpu.memory_space<hbm>> -> memref<1024xf32, #tpu.memory_space<hbm>>
        tpu.enqueue_dma source(%dma_start3A_25 : memref<1024xf32, #tpu.memory_space<hbm>>) target(%arg25 : memref<1024xf32, #tpu.memory_space<vmem>>) target_semaphore(%run_scoped3A : memref<!tpu.dma_semaphore, #tpu.memory_space<semaphore_mem>>)
        %dma_wait3A = tpu.memref_slice %arg10[%add3A_18] : memref<327680xf32, #tpu.memory_space<hbm>> -> memref<1024xf32, #tpu.memory_space<hbm>>
        %dma_wait3A_26 = tpu.memref_slice %arg10[%add3A_18] : memref<327680xf32, #tpu.memory_space<hbm>> -> memref<1024xf32, #tpu.memory_space<hbm>>
        tpu.wait_dma2 semaphore(%run_scoped3A : memref<!tpu.dma_semaphore, #tpu.memory_space<semaphore_mem>>) src(%dma_wait3A_26 : memref<1024xf32, #tpu.memory_space<hbm>>) dst(%arg25 : memref<1024xf32, #tpu.memory_space<vmem>>)
        tpu.yield
      }) : () -> ()
      "tpu.region"() ({
        %run_scoped3A = tpu.sem_alloc : memref<!tpu.dma_semaphore, #tpu.memory_space<semaphore_mem>>
        %dma_start3A = tpu.memref_slice %arg11[%add3A_18] : memref<327680xf32, #tpu.memory_space<hbm>> -> memref<1024xf32, #tpu.memory_space<hbm>>
        %dma_start3A_25 = tpu.memref_slice %arg11[%add3A_18] : memref<327680xf32, #tpu.memory_space<hbm>> -> memref<1024xf32, #tpu.memory_space<hbm>>
        tpu.enqueue_dma source(%dma_start3A_25 : memref<1024xf32, #tpu.memory_space<hbm>>) target(%arg26 : memref<1024xf32, #tpu.memory_space<vmem>>) target_semaphore(%run_scoped3A : memref<!tpu.dma_semaphore, #tpu.memory_space<semaphore_mem>>)
        %dma_wait3A = tpu.memref_slice %arg11[%add3A_18] : memref<327680xf32, #tpu.memory_space<hbm>> -> memref<1024xf32, #tpu.memory_space<hbm>>
        %dma_wait3A_26 = tpu.memref_slice %arg11[%add3A_18] : memref<327680xf32, #tpu.memory_space<hbm>> -> memref<1024xf32, #tpu.memory_space<hbm>>
        tpu.wait_dma2 semaphore(%run_scoped3A : memref<!tpu.dma_semaphore, #tpu.memory_space<semaphore_mem>>) src(%dma_wait3A_26 : memref<1024xf32, #tpu.memory_space<hbm>>) dst(%arg26 : memref<1024xf32, #tpu.memory_space<vmem>>)
        tpu.yield
      }) : () -> ()
      "tpu.region"() ({
        %run_scoped3A = tpu.sem_alloc : memref<!tpu.dma_semaphore, #tpu.memory_space<semaphore_mem>>
        %dma_start3A = tpu.memref_slice %arg12[%add3A_18] : memref<327680xf32, #tpu.memory_space<hbm>> -> memref<1024xf32, #tpu.memory_space<hbm>>
        %dma_start3A_25 = tpu.memref_slice %arg12[%add3A_18] : memref<327680xf32, #tpu.memory_space<hbm>> -> memref<1024xf32, #tpu.memory_space<hbm>>
        tpu.enqueue_dma source(%dma_start3A_25 : memref<1024xf32, #tpu.memory_space<hbm>>) target(%arg27 : memref<1024xf32, #tpu.memory_space<vmem>>) target_semaphore(%run_scoped3A : memref<!tpu.dma_semaphore, #tpu.memory_space<semaphore_mem>>)
        %dma_wait3A = tpu.memref_slice %arg12[%add3A_18] : memref<327680xf32, #tpu.memory_space<hbm>> -> memref<1024xf32, #tpu.memory_space<hbm>>
        %dma_wait3A_26 = tpu.memref_slice %arg12[%add3A_18] : memref<327680xf32, #tpu.memory_space<hbm>> -> memref<1024xf32, #tpu.memory_space<hbm>>
        tpu.wait_dma2 semaphore(%run_scoped3A : memref<!tpu.dma_semaphore, #tpu.memory_space<semaphore_mem>>) src(%dma_wait3A_26 : memref<1024xf32, #tpu.memory_space<hbm>>) dst(%arg27 : memref<1024xf32, #tpu.memory_space<vmem>>)
        tpu.yield
      }) : () -> ()
      "tpu.region"() ({
        %run_scoped3A = tpu.sem_alloc : memref<!tpu.dma_semaphore, #tpu.memory_space<semaphore_mem>>
        %dma_start3A = tpu.memref_slice %arg13[%add3A_18] : memref<327680xf32, #tpu.memory_space<hbm>> -> memref<1024xf32, #tpu.memory_space<hbm>>
        %dma_start3A_25 = tpu.memref_slice %arg13[%add3A_18] : memref<327680xf32, #tpu.memory_space<hbm>> -> memref<1024xf32, #tpu.memory_space<hbm>>
        tpu.enqueue_dma source(%dma_start3A_25 : memref<1024xf32, #tpu.memory_space<hbm>>) target(%arg28 : memref<1024xf32, #tpu.memory_space<vmem>>) target_semaphore(%run_scoped3A : memref<!tpu.dma_semaphore, #tpu.memory_space<semaphore_mem>>)
        %dma_wait3A = tpu.memref_slice %arg13[%add3A_18] : memref<327680xf32, #tpu.memory_space<hbm>> -> memref<1024xf32, #tpu.memory_space<hbm>>
        %dma_wait3A_26 = tpu.memref_slice %arg13[%add3A_18] : memref<327680xf32, #tpu.memory_space<hbm>> -> memref<1024xf32, #tpu.memory_space<hbm>>
        tpu.wait_dma2 semaphore(%run_scoped3A : memref<!tpu.dma_semaphore, #tpu.memory_space<semaphore_mem>>) src(%dma_wait3A_26 : memref<1024xf32, #tpu.memory_space<hbm>>) dst(%arg28 : memref<1024xf32, #tpu.memory_space<vmem>>)
        tpu.yield
      }) : () -> ()
      %scan3A_19 = arith.constant 0 : i32
      %scan3A_20 = arith.constant 0 : i32
      %scan3A_21 = arith.constant 64 : i32
      %scan3A_22 = arith.addi %scan3A_20, %scan3A_21 : i32
      %scan3A_23 = arith.constant 1 : i32
      scf.for %scan3A_25 = %scan3A_20 to %scan3A_22 step %scan3A_23  : i32 {
        %mul3A_26 = arith.constant 16 : i32
        %mul3A_27 = arith.muli %scan3A_25, %mul3A_26 : i32
        %get3A = arith.index_cast %mul3A_27 : i32 to index
        %get3A_28 = tpu.vector_load %arg29[%get3A] {strides = array<i32>} : memref<1024xi32, #tpu.memory_space<vmem>>, vector<16xi32>,
        %get3A_29 = arith.index_cast %mul3A_27 : i32 to index
        %get3A_30 = tpu.vector_load %arg30[%get3A_29] {strides = array<i32>} : memref<1024xi32, #tpu.memory_space<vmem>>, vector<16xi32>,
        %gather3A = tpu.vector_load_idx %arg17[%get3A_28] : memref<10240xf32, #tpu.memory_space<vmem>>[vector<16xi32>], vector<16xf32>,
        %gather3A_31 = tpu.vector_load_idx %arg21[%get3A_30] : memref<10240xf32, #tpu.memory_space<vmem>>[vector<16xi32>], vector<16xf32>,
        %add3A_32 = arith.addf %gather3A, %gather3A_31 : vector<16xf32>
        %get3A_33 = arith.index_cast %mul3A_27 : i32 to index
        %get3A_34 = tpu.vector_load %arg25[%get3A_33] {strides = array<i32>} : memref<1024xf32, #tpu.memory_space<vmem>>, vector<16xf32>,
        %add3A_35 = arith.addf %add3A_32, %get3A_34 : vector<16xf32>
        %ge3A = arith.constant 0.000000e+00 : f32
        %ge3A_36 = vector.broadcast %ge3A : f32 to vector<16xf32>
        %ge3A_37 = arith.cmpf oge, %add3A_35, %ge3A_36 : vector<16xf32>
        %mul3A_38 = arith.constant 0.00999999977 : f32
        %mul3A_39 = vector.broadcast %mul3A_38 : f32 to vector<16xf32>
        %mul3A_40 = arith.mulf %add3A_35, %mul3A_39 : vector<16xf32>
        %select_n3A = arith.select %ge3A_37, %add3A_35, %mul3A_40 : vector<16xi1>, vector<16xf32>
        %gather3A_41 = tpu.vector_load_idx %arg18[%get3A_28] : memref<10240xf32, #tpu.memory_space<vmem>>[vector<16xi32>], vector<16xf32>,
        %gather3A_42 = tpu.vector_load_idx %arg22[%get3A_30] : memref<10240xf32, #tpu.memory_space<vmem>>[vector<16xi32>], vector<16xf32>,
        %add3A_43 = arith.addf %gather3A_41, %gather3A_42 : vector<16xf32>
        %get3A_44 = arith.index_cast %mul3A_27 : i32 to index
        %get3A_45 = tpu.vector_load %arg26[%get3A_44] {strides = array<i32>} : memref<1024xf32, #tpu.memory_space<vmem>>, vector<16xf32>,
        %add3A_46 = arith.addf %add3A_43, %get3A_45 : vector<16xf32>
        %ge3A_47 = arith.constant 0.000000e+00 : f32
        %ge3A_48 = vector.broadcast %ge3A_47 : f32 to vector<16xf32>
        %ge3A_49 = arith.cmpf oge, %add3A_46, %ge3A_48 : vector<16xf32>
        %mul3A_50 = arith.constant 0.00999999977 : f32
        %mul3A_51 = vector.broadcast %mul3A_50 : f32 to vector<16xf32>
        %mul3A_52 = arith.mulf %add3A_46, %mul3A_51 : vector<16xf32>
        %select_n3A_53 = arith.select %ge3A_49, %add3A_46, %mul3A_52 : vector<16xi1>, vector<16xf32>
        %gather3A_54 = tpu.vector_load_idx %arg19[%get3A_28] : memref<10240xf32, #tpu.memory_space<vmem>>[vector<16xi32>], vector<16xf32>,
        %gather3A_55 = tpu.vector_load_idx %arg23[%get3A_30] : memref<10240xf32, #tpu.memory_space<vmem>>[vector<16xi32>], vector<16xf32>,
        %add3A_56 = arith.addf %gather3A_54, %gather3A_55 : vector<16xf32>
        %get3A_57 = arith.index_cast %mul3A_27 : i32 to index
        %get3A_58 = tpu.vector_load %arg27[%get3A_57] {strides = array<i32>} : memref<1024xf32, #tpu.memory_space<vmem>>, vector<16xf32>,
        %add3A_59 = arith.addf %add3A_56, %get3A_58 : vector<16xf32>
        %ge3A_60 = arith.constant 0.000000e+00 : f32
        %ge3A_61 = vector.broadcast %ge3A_60 : f32 to vector<16xf32>
        %ge3A_62 = arith.cmpf oge, %add3A_59, %ge3A_61 : vector<16xf32>
        %mul3A_63 = arith.constant 0.00999999977 : f32
        %mul3A_64 = vector.broadcast %mul3A_63 : f32 to vector<16xf32>
        %mul3A_65 = arith.mulf %add3A_59, %mul3A_64 : vector<16xf32>
        %select_n3A_66 = arith.select %ge3A_62, %add3A_59, %mul3A_65 : vector<16xi1>, vector<16xf32>
        %gather3A_67 = tpu.vector_load_idx %arg20[%get3A_28] : memref<10240xf32, #tpu.memory_space<vmem>>[vector<16xi32>], vector<16xf32>,
        %gather3A_68 = tpu.vector_load_idx %arg24[%get3A_30] : memref<10240xf32, #tpu.memory_space<vmem>>[vector<16xi32>], vector<16xf32>,
        %add3A_69 = arith.addf %gather3A_67, %gather3A_68 : vector<16xf32>
        %get3A_70 = arith.index_cast %mul3A_27 : i32 to index
        %get3A_71 = tpu.vector_load %arg28[%get3A_70] {strides = array<i32>} : memref<1024xf32, #tpu.memory_space<vmem>>, vector<16xf32>,
        %add3A_72 = arith.addf %add3A_69, %get3A_71 : vector<16xf32>
        %ge3A_73 = arith.constant 0.000000e+00 : f32
        %ge3A_74 = vector.broadcast %ge3A_73 : f32 to vector<16xf32>
        %ge3A_75 = arith.cmpf oge, %add3A_72, %ge3A_74 : vector<16xf32>
        %mul3A_76 = arith.constant 0.00999999977 : f32
        %mul3A_77 = vector.broadcast %mul3A_76 : f32 to vector<16xf32>
        %mul3A_78 = arith.mulf %add3A_72, %mul3A_77 : vector<16xf32>
        %select_n3A_79 = arith.select %ge3A_75, %add3A_72, %mul3A_78 : vector<16xi1>, vector<16xf32>
        %max3A = arith.maximumf %select_n3A, %select_n3A_53 : vector<16xf32>
        %max3A_80 = arith.maximumf %select_n3A_66, %select_n3A_79 : vector<16xf32>
        %max3A_81 = arith.maximumf %max3A, %max3A_80 : vector<16xf32>
        %sub3A = arith.subf %select_n3A, %max3A_81 : vector<16xf32>
        %exp3A = math.exp %sub3A : vector<16xf32>
        %sub3A_82 = arith.subf %select_n3A_53, %max3A_81 : vector<16xf32>
        %exp3A_83 = math.exp %sub3A_82 : vector<16xf32>
        %sub3A_84 = arith.subf %select_n3A_66, %max3A_81 : vector<16xf32>
        %exp3A_85 = math.exp %sub3A_84 : vector<16xf32>
        %sub3A_86 = arith.subf %select_n3A_79, %max3A_81 : vector<16xf32>
        %exp3A_87 = math.exp %sub3A_86 : vector<16xf32>
        %add3A_88 = arith.addf %exp3A, %exp3A_83 : vector<16xf32>
        %add3A_89 = arith.addf %add3A_88, %exp3A_85 : vector<16xf32>
        %add3A_90 = arith.addf %add3A_89, %exp3A_87 : vector<16xf32>
        %div3A = arith.constant 1.000000e+00 : f32
        %div3A_91 = vector.broadcast %div3A : f32 to vector<16xf32>
        %div3A_92 = arith.divf %div3A_91, %add3A_90 : vector<16xf32>
        %mul3A_93 = arith.constant 4 : i32
        %mul3A_94 = vector.broadcast %mul3A_93 : i32 to vector<16xi32>
        %mul3A_95 = arith.muli %get3A_28, %mul3A_94 : vector<16xi32>
        %add3A_96 = arith.constant 0 : i32
        %add3A_97 = vector.broadcast %add3A_96 : i32 to vector<16xi32>
        %add3A_98 = arith.addi %mul3A_95, %add3A_97 : vector<16xi32>
        %mul3A_99 = arith.mulf %exp3A, %div3A_92 : vector<16xf32>
        tpu.vector_store_idx %arg31[%add3A_98], %mul3A_99 {add = true} : memref<40960xf32, #tpu.memory_space<vmem>>[vector<16xi32>], vector<16xf32>,
        %add3A_100 = arith.constant 1 : i32
        %add3A_101 = vector.broadcast %add3A_100 : i32 to vector<16xi32>
        %add3A_102 = arith.addi %mul3A_95, %add3A_101 : vector<16xi32>
        %mul3A_103 = arith.mulf %exp3A_83, %div3A_92 : vector<16xf32>
        tpu.vector_store_idx %arg31[%add3A_102], %mul3A_103 {add = true} : memref<40960xf32, #tpu.memory_space<vmem>>[vector<16xi32>], vector<16xf32>,
        %add3A_104 = arith.constant 2 : i32
        %add3A_105 = vector.broadcast %add3A_104 : i32 to vector<16xi32>
        %add3A_106 = arith.addi %mul3A_95, %add3A_105 : vector<16xi32>
        %mul3A_107 = arith.mulf %exp3A_85, %div3A_92 : vector<16xf32>
        tpu.vector_store_idx %arg31[%add3A_106], %mul3A_107 {add = true} : memref<40960xf32, #tpu.memory_space<vmem>>[vector<16xi32>], vector<16xf32>,
        %add3A_108 = arith.constant 3 : i32
        %add3A_109 = vector.broadcast %add3A_108 : i32 to vector<16xi32>
        %add3A_110 = arith.addi %mul3A_95, %add3A_109 : vector<16xi32>
        %mul3A_111 = arith.mulf %exp3A_87, %div3A_92 : vector<16xf32>
        tpu.vector_store_idx %arg31[%add3A_110], %mul3A_111 {add = true} : memref<40960xf32, #tpu.memory_space<vmem>>[vector<16xi32>], vector<16xf32>,
      }
      %scan3A_24 = arith.constant 64 : i32
    }
    %scan3A_12 = arith.constant 10 : i32
    "tpu.region"() ({
      %run_scoped3A = tpu.sem_alloc : memref<!tpu.dma_semaphore, #tpu.memory_space<semaphore_mem>>
      %dma_start3A = arith.constant 0 : i32
      %dma_start3A_13 = tpu.memref_slice %arg16[%add3A, %dma_start3A] : memref<32x40960xf32, #tpu.memory_space<hbm>> -> memref<1x40960xf32, #tpu.memory_space<hbm>>
      %dma_start3A_14 = tpu.memref_squeeze %dma_start3A_13 : memref<1x40960xf32, #tpu.memory_space<hbm>> -> memref<40960xf32, #tpu.memory_space<hbm>>
      %dma_start3A_15 = arith.constant 0 : i32
      %dma_start3A_16 = tpu.memref_slice %arg16[%add3A, %dma_start3A_15] : memref<32x40960xf32, #tpu.memory_space<hbm>> -> memref<1x40960xf32, #tpu.memory_space<hbm>>
      %dma_start3A_17 = tpu.memref_squeeze %dma_start3A_16 : memref<1x40960xf32, #tpu.memory_space<hbm>> -> memref<40960xf32, #tpu.memory_space<hbm>>
      tpu.enqueue_dma source(%arg31 : memref<40960xf32, #tpu.memory_space<vmem>>) target(%dma_start3A_17 : memref<40960xf32, #tpu.memory_space<hbm>>) target_semaphore(%run_scoped3A : memref<!tpu.dma_semaphore, #tpu.memory_space<semaphore_mem>>)
      %dma_wait3A = arith.constant 0 : i32
      %dma_wait3A_18 = tpu.memref_slice %arg16[%add3A, %dma_wait3A] : memref<32x40960xf32, #tpu.memory_space<hbm>> -> memref<1x40960xf32, #tpu.memory_space<hbm>>
      %dma_wait3A_19 = tpu.memref_squeeze %dma_wait3A_18 : memref<1x40960xf32, #tpu.memory_space<hbm>> -> memref<40960xf32, #tpu.memory_space<hbm>>
      %dma_wait3A_20 = arith.constant 0 : i32
      %dma_wait3A_21 = tpu.memref_slice %arg16[%add3A, %dma_wait3A_20] : memref<32x40960xf32, #tpu.memory_space<hbm>> -> memref<1x40960xf32, #tpu.memory_space<hbm>>
      %dma_wait3A_22 = tpu.memref_squeeze %dma_wait3A_21 : memref<1x40960xf32, #tpu.memory_space<hbm>> -> memref<40960xf32, #tpu.memory_space<hbm>>
      tpu.wait_dma2 semaphore(%run_scoped3A : memref<!tpu.dma_semaphore, #tpu.memory_space<semaphore_mem>>) src(%arg31 : memref<40960xf32, #tpu.memory_space<vmem>>) dst(%dma_wait3A_22 : memref<40960xf32, #tpu.memory_space<hbm>>)
      tpu.yield
    }) : () -> ()
    return
  }
}

module attributes {stable_mosaic.version = 14 : i64} {
  func.func @_stage_a2_body(%arg0: i32, %arg1: memref<2048x16xf32, #tpu.memory_space<vmem>>, %arg2: memref<16x1xf32, #tpu.memory_space<vmem>>, %arg3: memref<16x1xf32, #tpu.memory_space<vmem>>, %arg4: memref<16x1xf32, #tpu.memory_space<vmem>>, %arg5: memref<16x1xf32, #tpu.memory_space<vmem>>, %arg6: memref<2048xf32, #tpu.memory_space<vmem>>, %arg7: memref<2048xf32, #tpu.memory_space<vmem>>, %arg8: memref<2048xf32, #tpu.memory_space<vmem>>, %arg9: memref<2048xf32, #tpu.memory_space<vmem>>) attributes {dimension_semantics = [#tpu.dimension_semantics<arbitrary>], iteration_bounds = array<i64: 160>, scalar_prefetch = 0 : i64, scratch_operands = 0 : i64, tpu.core_type = #tpu.core_type<tc>, window_params = [{transform_indices = @transform_0, window_bounds = array<i64: 2048, 16>}, {pipeline_mode = #tpu.pipeline_mode<synchronous>, transform_indices = @transform_1, window_bounds = array<i64: 16, 1>}, {pipeline_mode = #tpu.pipeline_mode<synchronous>, transform_indices = @transform_2, window_bounds = array<i64: 16, 1>}, {pipeline_mode = #tpu.pipeline_mode<synchronous>, transform_indices = @transform_3, window_bounds = array<i64: 16, 1>}, {pipeline_mode = #tpu.pipeline_mode<synchronous>, transform_indices = @transform_4, window_bounds = array<i64: 16, 1>}, {transform_indices = @transform_5, window_bounds = array<i64: 2048>}, {transform_indices = @transform_6, window_bounds = array<i64: 2048>}, {transform_indices = @transform_7, window_bounds = array<i64: 2048>}, {transform_indices = @transform_8, window_bounds = array<i64: 2048>}]} {
    %get3A = arith.constant 0 : index
    %get3A_0 = arith.constant 0 : index
    %get3A_1 = vector.load %arg1[%get3A, %get3A_0] : memref<2048x16xf32, #tpu.memory_space<vmem>>, vector<2048x16xf32>
    %get3A_2 = arith.constant 0 : index
    %get3A_3 = arith.constant 0 : index
    %get3A_4 = vector.load %arg2[%get3A_2, %get3A_3] : memref<16x1xf32, #tpu.memory_space<vmem>>, vector<16x1xf32>
    %dot_general3A = arith.constant dense<0.000000e+00> : vector<2048x1xf32>
    %dot_general3A_5 = tpu.matmul %get3A_1, %get3A_4, %dot_general3A {dimension_numbers = #tpu.dot_dimension_numbers<[1], [0], [0], [1], [0, 0, 1, 1], [], []>, transpose_lhs_hint = false} : vector<2048x16xf32>, vector<16x1xf32>, vector<2048x1xf32> -> vector<2048x1xf32>
    %squeeze3A = vector.shape_cast %dot_general3A_5 : vector<2048x1xf32> to vector<2048xf32>
    %swap3A = arith.constant 0 : index
    %swap3A_6 = vector.load %arg6[%swap3A] : memref<2048xf32, #tpu.memory_space<vmem>>, vector<2048xf32>
    tpu.vector_store %arg6[%swap3A], %squeeze3A {strides = array<i32>} : memref<2048xf32, #tpu.memory_space<vmem>>, vector<2048xf32>,
    %get3A_7 = arith.constant 0 : index
    %get3A_8 = arith.constant 0 : index
    %get3A_9 = vector.load %arg3[%get3A_7, %get3A_8] : memref<16x1xf32, #tpu.memory_space<vmem>>, vector<16x1xf32>
    %dot_general3A_10 = arith.constant dense<0.000000e+00> : vector<2048x1xf32>
    %dot_general3A_11 = tpu.matmul %get3A_1, %get3A_9, %dot_general3A_10 {dimension_numbers = #tpu.dot_dimension_numbers<[1], [0], [0], [1], [0, 0, 1, 1], [], []>, transpose_lhs_hint = false} : vector<2048x16xf32>, vector<16x1xf32>, vector<2048x1xf32> -> vector<2048x1xf32>
    %squeeze3A_12 = vector.shape_cast %dot_general3A_11 : vector<2048x1xf32> to vector<2048xf32>
    %swap3A_13 = arith.constant 0 : index
    %swap3A_14 = vector.load %arg7[%swap3A_13] : memref<2048xf32, #tpu.memory_space<vmem>>, vector<2048xf32>
    tpu.vector_store %arg7[%swap3A_13], %squeeze3A_12 {strides = array<i32>} : memref<2048xf32, #tpu.memory_space<vmem>>, vector<2048xf32>,
    %get3A_15 = arith.constant 0 : index
    %get3A_16 = arith.constant 0 : index
    %get3A_17 = vector.load %arg4[%get3A_15, %get3A_16] : memref<16x1xf32, #tpu.memory_space<vmem>>, vector<16x1xf32>
    %dot_general3A_18 = arith.constant dense<0.000000e+00> : vector<2048x1xf32>
    %dot_general3A_19 = tpu.matmul %get3A_1, %get3A_17, %dot_general3A_18 {dimension_numbers = #tpu.dot_dimension_numbers<[1], [0], [0], [1], [0, 0, 1, 1], [], []>, transpose_lhs_hint = false} : vector<2048x16xf32>, vector<16x1xf32>, vector<2048x1xf32> -> vector<2048x1xf32>
    %squeeze3A_20 = vector.shape_cast %dot_general3A_19 : vector<2048x1xf32> to vector<2048xf32>
    %swap3A_21 = arith.constant 0 : index
    %swap3A_22 = vector.load %arg8[%swap3A_21] : memref<2048xf32, #tpu.memory_space<vmem>>, vector<2048xf32>
    tpu.vector_store %arg8[%swap3A_21], %squeeze3A_20 {strides = array<i32>} : memref<2048xf32, #tpu.memory_space<vmem>>, vector<2048xf32>,
    %get3A_23 = arith.constant 0 : index
    %get3A_24 = arith.constant 0 : index
    %get3A_25 = vector.load %arg5[%get3A_23, %get3A_24] : memref<16x1xf32, #tpu.memory_space<vmem>>, vector<16x1xf32>
    %dot_general3A_26 = arith.constant dense<0.000000e+00> : vector<2048x1xf32>
    %dot_general3A_27 = tpu.matmul %get3A_1, %get3A_25, %dot_general3A_26 {dimension_numbers = #tpu.dot_dimension_numbers<[1], [0], [0], [1], [0, 0, 1, 1], [], []>, transpose_lhs_hint = false} : vector<2048x16xf32>, vector<16x1xf32>, vector<2048x1xf32> -> vector<2048x1xf32>
    %squeeze3A_28 = vector.shape_cast %dot_general3A_27 : vector<2048x1xf32> to vector<2048xf32>
    %swap3A_29 = arith.constant 0 : index
    %swap3A_30 = vector.load %arg9[%swap3A_29] : memref<2048xf32, #tpu.memory_space<vmem>>, vector<2048xf32>
    tpu.vector_store %arg9[%swap3A_29], %squeeze3A_28 {strides = array<i32>} : memref<2048xf32, #tpu.memory_space<vmem>>, vector<2048xf32>,
    return
  }
  func.func @transform_0(%arg0: i32) -> (i32, i32) {
    %c0_i32 = arith.constant 0 : i32
    %c0_i32_0 = arith.constant 0 : i32
    return %arg0, %c0_i32 : i32, i32
  }
  func.func @transform_1(%arg0: i32) -> (i32, i32) {
    %c0_i32 = arith.constant 0 : i32
    %c0_i32_0 = arith.constant 0 : i32
    %c0_i32_1 = arith.constant 0 : i32
    return %c0_i32, %c0_i32_0 : i32, i32
  }
  func.func @transform_2(%arg0: i32) -> (i32, i32) {
    %c0_i32 = arith.constant 0 : i32
    %c0_i32_0 = arith.constant 0 : i32
    %c0_i32_1 = arith.constant 0 : i32
    return %c0_i32, %c0_i32_0 : i32, i32
  }
  func.func @transform_3(%arg0: i32) -> (i32, i32) {
    %c0_i32 = arith.constant 0 : i32
    %c0_i32_0 = arith.constant 0 : i32
    %c0_i32_1 = arith.constant 0 : i32
    return %c0_i32, %c0_i32_0 : i32, i32
  }
  func.func @transform_4(%arg0: i32) -> (i32, i32) {
    %c0_i32 = arith.constant 0 : i32
    %c0_i32_0 = arith.constant 0 : i32
    %c0_i32_1 = arith.constant 0 : i32
    return %c0_i32, %c0_i32_0 : i32, i32
  }
  func.func @transform_5(%arg0: i32) -> i32 {
    %c0_i32 = arith.constant 0 : i32
    return %arg0 : i32
  }
  func.func @transform_6(%arg0: i32) -> i32 {
    %c0_i32 = arith.constant 0 : i32
    return %arg0 : i32
  }
  func.func @transform_7(%arg0: i32) -> i32 {
    %c0_i32 = arith.constant 0 : i32
    return %arg0 : i32
  }
  func.func @transform_8(%arg0: i32) -> i32 {
    %c0_i32 = arith.constant 0 : i32
    return %arg0 : i32
  }
}

module attributes {stable_mosaic.version = 14 : i64} {
  func.func @_stage_a1_body(%arg0: i32, %arg1: memref<10240x129xf32, #tpu.memory_space<vmem>>, %arg2: memref<129x1xf32, #tpu.memory_space<vmem>>, %arg3: memref<129x1xf32, #tpu.memory_space<vmem>>, %arg4: memref<129x1xf32, #tpu.memory_space<vmem>>, %arg5: memref<129x1xf32, #tpu.memory_space<vmem>>, %arg6: memref<129x1xf32, #tpu.memory_space<vmem>>, %arg7: memref<129x1xf32, #tpu.memory_space<vmem>>, %arg8: memref<129x1xf32, #tpu.memory_space<vmem>>, %arg9: memref<129x1xf32, #tpu.memory_space<vmem>>, %arg10: memref<10240xf32, #tpu.memory_space<vmem>>, %arg11: memref<10240xf32, #tpu.memory_space<vmem>>, %arg12: memref<10240xf32, #tpu.memory_space<vmem>>, %arg13: memref<10240xf32, #tpu.memory_space<vmem>>, %arg14: memref<10240xf32, #tpu.memory_space<vmem>>, %arg15: memref<10240xf32, #tpu.memory_space<vmem>>, %arg16: memref<10240xf32, #tpu.memory_space<vmem>>, %arg17: memref<10240xf32, #tpu.memory_space<vmem>>) attributes {dimension_semantics = [#tpu.dimension_semantics<arbitrary>], iteration_bounds = array<i64: 1>, scalar_prefetch = 0 : i64, scratch_operands = 0 : i64, tpu.core_type = #tpu.core_type<tc>, window_params = [{pipeline_mode = #tpu.pipeline_mode<synchronous>, transform_indices = @transform_0, window_bounds = array<i64: 10240, 129>}, {pipeline_mode = #tpu.pipeline_mode<synchronous>, transform_indices = @transform_1, window_bounds = array<i64: 129, 1>}, {pipeline_mode = #tpu.pipeline_mode<synchronous>, transform_indices = @transform_2, window_bounds = array<i64: 129, 1>}, {pipeline_mode = #tpu.pipeline_mode<synchronous>, transform_indices = @transform_3, window_bounds = array<i64: 129, 1>}, {pipeline_mode = #tpu.pipeline_mode<synchronous>, transform_indices = @transform_4, window_bounds = array<i64: 129, 1>}, {pipeline_mode = #tpu.pipeline_mode<synchronous>, transform_indices = @transform_5, window_bounds = array<i64: 129, 1>}, {pipeline_mode = #tpu.pipeline_mode<synchronous>, transform_indices = @transform_6, window_bounds = array<i64: 129, 1>}, {pipeline_mode = #tpu.pipeline_mode<synchronous>, transform_indices = @transform_7, window_bounds = array<i64: 129, 1>}, {pipeline_mode = #tpu.pipeline_mode<synchronous>, transform_indices = @transform_8, window_bounds = array<i64: 129, 1>}, {pipeline_mode = #tpu.pipeline_mode<synchronous>, transform_indices = @transform_9, window_bounds = array<i64: 10240>}, {pipeline_mode = #tpu.pipeline_mode<synchronous>, transform_indices = @transform_10, window_bounds = array<i64: 10240>}, {pipeline_mode = #tpu.pipeline_mode<synchronous>, transform_indices = @transform_11, window_bounds = array<i64: 10240>}, {pipeline_mode = #tpu.pipeline_mode<synchronous>, transform_indices = @transform_12, window_bounds = array<i64: 10240>}, {pipeline_mode = #tpu.pipeline_mode<synchronous>, transform_indices = @transform_13, window_bounds = array<i64: 10240>}, {pipeline_mode = #tpu.pipeline_mode<synchronous>, transform_indices = @transform_14, window_bounds = array<i64: 10240>}, {pipeline_mode = #tpu.pipeline_mode<synchronous>, transform_indices = @transform_15, window_bounds = array<i64: 10240>}, {pipeline_mode = #tpu.pipeline_mode<synchronous>, transform_indices = @transform_16, window_bounds = array<i64: 10240>}]} {
    %get3A = arith.constant 0 : index
    %get3A_0 = arith.constant 0 : index
    %get3A_1 = vector.load %arg1[%get3A, %get3A_0] : memref<10240x129xf32, #tpu.memory_space<vmem>>, vector<10240x129xf32>
    %get3A_2 = arith.constant 0 : index
    %get3A_3 = arith.constant 0 : index
    %get3A_4 = vector.load %arg2[%get3A_2, %get3A_3] : memref<129x1xf32, #tpu.memory_space<vmem>>, vector<129x1xf32>
    %dot_general3A = arith.constant dense<0.000000e+00> : vector<10240x1xf32>
    %dot_general3A_5 = tpu.matmul %get3A_1, %get3A_4, %dot_general3A {dimension_numbers = #tpu.dot_dimension_numbers<[1], [0], [0], [1], [0, 0, 1, 1], [], []>, transpose_lhs_hint = false} : vector<10240x129xf32>, vector<129x1xf32>, vector<10240x1xf32> -> vector<10240x1xf32>
    %squeeze3A = vector.shape_cast %dot_general3A_5 : vector<10240x1xf32> to vector<10240xf32>
    %swap3A = arith.constant 0 : index
    %swap3A_6 = vector.load %arg10[%swap3A] : memref<10240xf32, #tpu.memory_space<vmem>>, vector<10240xf32>
    tpu.vector_store %arg10[%swap3A], %squeeze3A {strides = array<i32>} : memref<10240xf32, #tpu.memory_space<vmem>>, vector<10240xf32>,
    %get3A_7 = arith.constant 0 : index
    %get3A_8 = arith.constant 0 : index
    %get3A_9 = vector.load %arg3[%get3A_7, %get3A_8] : memref<129x1xf32, #tpu.memory_space<vmem>>, vector<129x1xf32>
    %dot_general3A_10 = arith.constant dense<0.000000e+00> : vector<10240x1xf32>
    %dot_general3A_11 = tpu.matmul %get3A_1, %get3A_9, %dot_general3A_10 {dimension_numbers = #tpu.dot_dimension_numbers<[1], [0], [0], [1], [0, 0, 1, 1], [], []>, transpose_lhs_hint = false} : vector<10240x129xf32>, vector<129x1xf32>, vector<10240x1xf32> -> vector<10240x1xf32>
    %squeeze3A_12 = vector.shape_cast %dot_general3A_11 : vector<10240x1xf32> to vector<10240xf32>
    %swap3A_13 = arith.constant 0 : index
    %swap3A_14 = vector.load %arg11[%swap3A_13] : memref<10240xf32, #tpu.memory_space<vmem>>, vector<10240xf32>
    tpu.vector_store %arg11[%swap3A_13], %squeeze3A_12 {strides = array<i32>} : memref<10240xf32, #tpu.memory_space<vmem>>, vector<10240xf32>,
    %get3A_15 = arith.constant 0 : index
    %get3A_16 = arith.constant 0 : index
    %get3A_17 = vector.load %arg4[%get3A_15, %get3A_16] : memref<129x1xf32, #tpu.memory_space<vmem>>, vector<129x1xf32>
    %dot_general3A_18 = arith.constant dense<0.000000e+00> : vector<10240x1xf32>
    %dot_general3A_19 = tpu.matmul %get3A_1, %get3A_17, %dot_general3A_18 {dimension_numbers = #tpu.dot_dimension_numbers<[1], [0], [0], [1], [0, 0, 1, 1], [], []>, transpose_lhs_hint = false} : vector<10240x129xf32>, vector<129x1xf32>, vector<10240x1xf32> -> vector<10240x1xf32>
    %squeeze3A_20 = vector.shape_cast %dot_general3A_19 : vector<10240x1xf32> to vector<10240xf32>
    %swap3A_21 = arith.constant 0 : index
    %swap3A_22 = vector.load %arg12[%swap3A_21] : memref<10240xf32, #tpu.memory_space<vmem>>, vector<10240xf32>
    tpu.vector_store %arg12[%swap3A_21], %squeeze3A_20 {strides = array<i32>} : memref<10240xf32, #tpu.memory_space<vmem>>, vector<10240xf32>,
    %get3A_23 = arith.constant 0 : index
    %get3A_24 = arith.constant 0 : index
    %get3A_25 = vector.load %arg5[%get3A_23, %get3A_24] : memref<129x1xf32, #tpu.memory_space<vmem>>, vector<129x1xf32>
    %dot_general3A_26 = arith.constant dense<0.000000e+00> : vector<10240x1xf32>
    %dot_general3A_27 = tpu.matmul %get3A_1, %get3A_25, %dot_general3A_26 {dimension_numbers = #tpu.dot_dimension_numbers<[1], [0], [0], [1], [0, 0, 1, 1], [], []>, transpose_lhs_hint = false} : vector<10240x129xf32>, vector<129x1xf32>, vector<10240x1xf32> -> vector<10240x1xf32>
    %squeeze3A_28 = vector.shape_cast %dot_general3A_27 : vector<10240x1xf32> to vector<10240xf32>
    %swap3A_29 = arith.constant 0 : index
    %swap3A_30 = vector.load %arg13[%swap3A_29] : memref<10240xf32, #tpu.memory_space<vmem>>, vector<10240xf32>
    tpu.vector_store %arg13[%swap3A_29], %squeeze3A_28 {strides = array<i32>} : memref<10240xf32, #tpu.memory_space<vmem>>, vector<10240xf32>,
    %get3A_31 = arith.constant 0 : index
    %get3A_32 = arith.constant 0 : index
    %get3A_33 = vector.load %arg6[%get3A_31, %get3A_32] : memref<129x1xf32, #tpu.memory_space<vmem>>, vector<129x1xf32>
    %dot_general3A_34 = arith.constant dense<0.000000e+00> : vector<10240x1xf32>
    %dot_general3A_35 = tpu.matmul %get3A_1, %get3A_33, %dot_general3A_34 {dimension_numbers = #tpu.dot_dimension_numbers<[1], [0], [0], [1], [0, 0, 1, 1], [], []>, transpose_lhs_hint = false} : vector<10240x129xf32>, vector<129x1xf32>, vector<10240x1xf32> -> vector<10240x1xf32>
    %squeeze3A_36 = vector.shape_cast %dot_general3A_35 : vector<10240x1xf32> to vector<10240xf32>
    %swap3A_37 = arith.constant 0 : index
    %swap3A_38 = vector.load %arg14[%swap3A_37] : memref<10240xf32, #tpu.memory_space<vmem>>, vector<10240xf32>
    tpu.vector_store %arg14[%swap3A_37], %squeeze3A_36 {strides = array<i32>} : memref<10240xf32, #tpu.memory_space<vmem>>, vector<10240xf32>,
    %get3A_39 = arith.constant 0 : index
    %get3A_40 = arith.constant 0 : index
    %get3A_41 = vector.load %arg7[%get3A_39, %get3A_40] : memref<129x1xf32, #tpu.memory_space<vmem>>, vector<129x1xf32>
    %dot_general3A_42 = arith.constant dense<0.000000e+00> : vector<10240x1xf32>
    %dot_general3A_43 = tpu.matmul %get3A_1, %get3A_41, %dot_general3A_42 {dimension_numbers = #tpu.dot_dimension_numbers<[1], [0], [0], [1], [0, 0, 1, 1], [], []>, transpose_lhs_hint = false} : vector<10240x129xf32>, vector<129x1xf32>, vector<10240x1xf32> -> vector<10240x1xf32>
    %squeeze3A_44 = vector.shape_cast %dot_general3A_43 : vector<10240x1xf32> to vector<10240xf32>
    %swap3A_45 = arith.constant 0 : index
    %swap3A_46 = vector.load %arg15[%swap3A_45] : memref<10240xf32, #tpu.memory_space<vmem>>, vector<10240xf32>
    tpu.vector_store %arg15[%swap3A_45], %squeeze3A_44 {strides = array<i32>} : memref<10240xf32, #tpu.memory_space<vmem>>, vector<10240xf32>,
    %get3A_47 = arith.constant 0 : index
    %get3A_48 = arith.constant 0 : index
    %get3A_49 = vector.load %arg8[%get3A_47, %get3A_48] : memref<129x1xf32, #tpu.memory_space<vmem>>, vector<129x1xf32>
    %dot_general3A_50 = arith.constant dense<0.000000e+00> : vector<10240x1xf32>
    %dot_general3A_51 = tpu.matmul %get3A_1, %get3A_49, %dot_general3A_50 {dimension_numbers = #tpu.dot_dimension_numbers<[1], [0], [0], [1], [0, 0, 1, 1], [], []>, transpose_lhs_hint = false} : vector<10240x129xf32>, vector<129x1xf32>, vector<10240x1xf32> -> vector<10240x1xf32>
    %squeeze3A_52 = vector.shape_cast %dot_general3A_51 : vector<10240x1xf32> to vector<10240xf32>
    %swap3A_53 = arith.constant 0 : index
    %swap3A_54 = vector.load %arg16[%swap3A_53] : memref<10240xf32, #tpu.memory_space<vmem>>, vector<10240xf32>
    tpu.vector_store %arg16[%swap3A_53], %squeeze3A_52 {strides = array<i32>} : memref<10240xf32, #tpu.memory_space<vmem>>, vector<10240xf32>,
    %get3A_55 = arith.constant 0 : index
    %get3A_56 = arith.constant 0 : index
    %get3A_57 = vector.load %arg9[%get3A_55, %get3A_56] : memref<129x1xf32, #tpu.memory_space<vmem>>, vector<129x1xf32>
    %dot_general3A_58 = arith.constant dense<0.000000e+00> : vector<10240x1xf32>
    %dot_general3A_59 = tpu.matmul %get3A_1, %get3A_57, %dot_general3A_58 {dimension_numbers = #tpu.dot_dimension_numbers<[1], [0], [0], [1], [0, 0, 1, 1], [], []>, transpose_lhs_hint = false} : vector<10240x129xf32>, vector<129x1xf32>, vector<10240x1xf32> -> vector<10240x1xf32>
    %squeeze3A_60 = vector.shape_cast %dot_general3A_59 : vector<10240x1xf32> to vector<10240xf32>
    %swap3A_61 = arith.constant 0 : index
    %swap3A_62 = vector.load %arg17[%swap3A_61] : memref<10240xf32, #tpu.memory_space<vmem>>, vector<10240xf32>
    tpu.vector_store %arg17[%swap3A_61], %squeeze3A_60 {strides = array<i32>} : memref<10240xf32, #tpu.memory_space<vmem>>, vector<10240xf32>,
    return
  }
  func.func @transform_0(%arg0: i32) -> (i32, i32) {
    %c0_i32 = arith.constant 0 : i32
    %c0_i32_0 = arith.constant 0 : i32
    %c0_i32_1 = arith.constant 0 : i32
    return %c0_i32, %c0_i32_0 : i32, i32
  }
  func.func @transform_1(%arg0: i32) -> (i32, i32) {
    %c0_i32 = arith.constant 0 : i32
    %c0_i32_0 = arith.constant 0 : i32
    %c0_i32_1 = arith.constant 0 : i32
    return %c0_i32, %c0_i32_0 : i32, i32
  }
  func.func @transform_2(%arg0: i32) -> (i32, i32) {
    %c0_i32 = arith.constant 0 : i32
    %c0_i32_0 = arith.constant 0 : i32
    %c0_i32_1 = arith.constant 0 : i32
    return %c0_i32, %c0_i32_0 : i32, i32
  }
  func.func @transform_3(%arg0: i32) -> (i32, i32) {
    %c0_i32 = arith.constant 0 : i32
    %c0_i32_0 = arith.constant 0 : i32
    %c0_i32_1 = arith.constant 0 : i32
    return %c0_i32, %c0_i32_0 : i32, i32
  }
  func.func @transform_4(%arg0: i32) -> (i32, i32) {
    %c0_i32 = arith.constant 0 : i32
    %c0_i32_0 = arith.constant 0 : i32
    %c0_i32_1 = arith.constant 0 : i32
    return %c0_i32, %c0_i32_0 : i32, i32
  }
  func.func @transform_5(%arg0: i32) -> (i32, i32) {
    %c0_i32 = arith.constant 0 : i32
    %c0_i32_0 = arith.constant 0 : i32
    %c0_i32_1 = arith.constant 0 : i32
    return %c0_i32, %c0_i32_0 : i32, i32
  }
  func.func @transform_6(%arg0: i32) -> (i32, i32) {
    %c0_i32 = arith.constant 0 : i32
    %c0_i32_0 = arith.constant 0 : i32
    %c0_i32_1 = arith.constant 0 : i32
    return %c0_i32, %c0_i32_0 : i32, i32
  }
  func.func @transform_7(%arg0: i32) -> (i32, i32) {
    %c0_i32 = arith.constant 0 : i32
    %c0_i32_0 = arith.constant 0 : i32
    %c0_i32_1 = arith.constant 0 : i32
    return %c0_i32, %c0_i32_0 : i32, i32
  }
  func.func @transform_8(%arg0: i32) -> (i32, i32) {
    %c0_i32 = arith.constant 0 : i32
    %c0_i32_0 = arith.constant 0 : i32
    %c0_i32_1 = arith.constant 0 : i32
    return %c0_i32, %c0_i32_0 : i32, i32
  }
  func.func @transform_9(%arg0: i32) -> i32 {
    %c0_i32 = arith.constant 0 : i32
    %c0_i32_0 = arith.constant 0 : i32
    return %c0_i32 : i32
  }
  func.func @transform_10(%arg0: i32) -> i32 {
    %c0_i32 = arith.constant 0 : i32
    %c0_i32_0 = arith.constant 0 : i32
    return %c0_i32 : i32
  }
  func.func @transform_11(%arg0: i32) -> i32 {
    %c0_i32 = arith.constant 0 : i32
    %c0_i32_0 = arith.constant 0 : i32
    return %c0_i32 : i32
  }
  func.func @transform_12(%arg0: i32) -> i32 {
    %c0_i32 = arith.constant 0 : i32
    %c0_i32_0 = arith.constant 0 : i32
    return %c0_i32 : i32
  }
  func.func @transform_13(%arg0: i32) -> i32 {
    %c0_i32 = arith.constant 0 : i32
    %c0_i32_0 = arith.constant 0 : i32
    return %c0_i32 : i32
  }
  func.func @transform_14(%arg0: i32) -> i32 {
    %c0_i32 = arith.constant 0 : i32
    %c0_i32_0 = arith.constant 0 : i32
    return %c0_i32 : i32
  }
  func.func @transform_15(%arg0: i32) -> i32 {
    %c0_i32 = arith.constant 0 : i32
    %c0_i32_0 = arith.constant 0 : i32
    return %c0_i32 : i32
  }
  func.func @transform_16(%arg0: i32) -> i32 {
    %c0_i32 = arith.constant 0 : i32
    %c0_i32_0 = arith.constant 0 : i32
    return %c0_i32 : i32
  }
}

module attributes {stable_mosaic.version = 14 : i64} {
  func.func @_stage_r_body(%arg0: i32, %arg1: memref<32x64x128xf32, #tpu.memory_space<vmem>>, %arg2: memref<64x128xf32, #tpu.memory_space<vmem>>) attributes {dimension_semantics = [#tpu.dimension_semantics<arbitrary>], iteration_bounds = array<i64: 5>, scalar_prefetch = 0 : i64, scratch_operands = 0 : i64, tpu.core_type = #tpu.core_type<tc>, window_params = [{transform_indices = @transform_0, window_bounds = array<i64: 32, 64, 128>}, {transform_indices = @transform_1, window_bounds = array<i64: 64, 128>}]} {
    %get3A = arith.constant 0 : index
    %get3A_0 = arith.constant 0 : index
    %get3A_1 = arith.constant 0 : index
    %get3A_2 = vector.load %arg1[%get3A, %get3A_0, %get3A_1] : memref<32x64x128xf32, #tpu.memory_space<vmem>>, vector<32x64x128xf32>
    %reduce_sum3A = arith.constant dense<0.000000e+00> : vector<64x128xf32>
    %reduce_sum3A_3 = vector.multi_reduction <add>, %get3A_2, %reduce_sum3A [0] : vector<32x64x128xf32> to vector<64x128xf32>
    %swap3A = arith.constant 0 : index
    %swap3A_4 = arith.constant 0 : index
    %swap3A_5 = vector.load %arg2[%swap3A, %swap3A_4] : memref<64x128xf32, #tpu.memory_space<vmem>>, vector<64x128xf32>
    tpu.vector_store %arg2[%swap3A, %swap3A_4], %reduce_sum3A_3 {strides = array<i32>} : memref<64x128xf32, #tpu.memory_space<vmem>>, vector<64x128xf32>,
    return
  }
  func.func @transform_0(%arg0: i32) -> (i32, i32, i32) {
    %c0_i32 = arith.constant 0 : i32
    %c0_i32_0 = arith.constant 0 : i32
    %c0_i32_1 = arith.constant 0 : i32
    return %c0_i32, %arg0, %c0_i32_0 : i32, i32, i32
  }
  func.func @transform_1(%arg0: i32) -> (i32, i32) {
    %c0_i32 = arith.constant 0 : i32
    %c0_i32_0 = arith.constant 0 : i32
    return %arg0, %c0_i32 : i32, i32
  }
}

module attributes {stable_mosaic.version = 14 : i64} {
  func.func @_stage_c_body(%arg0: i32, %arg1: memref<2048x128xf32, #tpu.memory_space<vmem>>, %arg2: memref<2048x4xf32, #tpu.memory_space<vmem>>, %arg3: memref<128x128xf32, #tpu.memory_space<vmem>>, %arg4: memref<4x128xf32, #tpu.memory_space<vmem>>, %arg5: memref<1x128xf32, #tpu.memory_space<vmem>>, %arg6: memref<2048x128xf32, #tpu.memory_space<vmem>>) attributes {dimension_semantics = [#tpu.dimension_semantics<arbitrary>], iteration_bounds = array<i64: 5>, scalar_prefetch = 0 : i64, scratch_operands = 0 : i64, tpu.core_type = #tpu.core_type<tc>, window_params = [{transform_indices = @transform_0, window_bounds = array<i64: 2048, 128>}, {transform_indices = @transform_1, window_bounds = array<i64: 2048, 4>}, {pipeline_mode = #tpu.pipeline_mode<synchronous>, transform_indices = @transform_2, window_bounds = array<i64: 128, 128>}, {pipeline_mode = #tpu.pipeline_mode<synchronous>, transform_indices = @transform_3, window_bounds = array<i64: 4, 128>}, {pipeline_mode = #tpu.pipeline_mode<synchronous>, transform_indices = @transform_4, window_bounds = array<i64: 1, 128>}, {transform_indices = @transform_5, window_bounds = array<i64: 2048, 128>}]} {
    %get3A = arith.constant 0 : index
    %get3A_0 = arith.constant 0 : index
    %get3A_1 = vector.load %arg2[%get3A, %get3A_0] : memref<2048x4xf32, #tpu.memory_space<vmem>>, vector<2048x4xf32>
    %get3A_2 = arith.constant 0 : index
    %get3A_3 = arith.constant 0 : index
    %get3A_4 = vector.load %arg1[%get3A_2, %get3A_3] : memref<2048x128xf32, #tpu.memory_space<vmem>>, vector<2048x128xf32>
    %get3A_5 = arith.constant 0 : index
    %get3A_6 = arith.constant 0 : index
    %get3A_7 = vector.load %arg3[%get3A_5, %get3A_6] : memref<128x128xf32, #tpu.memory_space<vmem>>, vector<128x128xf32>
    %dot_general3A = arith.constant dense<0.000000e+00> : vector<2048x128xf32>
    %dot_general3A_8 = tpu.matmul %get3A_4, %get3A_7, %dot_general3A {dimension_numbers = #tpu.dot_dimension_numbers<[1], [0], [0], [1], [0, 0, 1, 1], [], []>, transpose_lhs_hint = false} : vector<2048x128xf32>, vector<128x128xf32>, vector<2048x128xf32> -> vector<2048x128xf32>
    %get3A_9 = arith.constant 0 : index
    %get3A_10 = arith.constant 0 : index
    %get3A_11 = vector.load %arg4[%get3A_9, %get3A_10] : memref<4x128xf32, #tpu.memory_space<vmem>>, vector<4x128xf32>
    %dot_general3A_12 = arith.constant dense<0.000000e+00> : vector<2048x128xf32>
    %dot_general3A_13 = tpu.matmul %get3A_1, %get3A_11, %dot_general3A_12 {dimension_numbers = #tpu.dot_dimension_numbers<[1], [0], [0], [1], [0, 0, 1, 1], [], []>, transpose_lhs_hint = false} : vector<2048x4xf32>, vector<4x128xf32>, vector<2048x128xf32> -> vector<2048x128xf32>
    %add3A = arith.addf %dot_general3A_8, %dot_general3A_13 : vector<2048x128xf32>
    %get3A_14 = arith.constant 0 : index
    %get3A_15 = arith.constant 0 : index
    %get3A_16 = vector.load %arg5[%get3A_14, %get3A_15] : memref<1x128xf32, #tpu.memory_space<vmem>>, vector<1x128xf32>
    %add3A_17 = vector.broadcast %get3A_16 : vector<1x128xf32> to vector<2048x128xf32>
    %add3A_18 = arith.addf %add3A, %add3A_17 : vector<2048x128xf32>
    %swap3A = arith.constant 0 : index
    %swap3A_19 = arith.constant 0 : index
    %swap3A_20 = vector.load %arg6[%swap3A, %swap3A_19] : memref<2048x128xf32, #tpu.memory_space<vmem>>, vector<2048x128xf32>
    tpu.vector_store %arg6[%swap3A, %swap3A_19], %add3A_18 {strides = array<i32>} : memref<2048x128xf32, #tpu.memory_space<vmem>>, vector<2048x128xf32>,
    return
  }
  func.func @transform_0(%arg0: i32) -> (i32, i32) {
    %c0_i32 = arith.constant 0 : i32
    %c0_i32_0 = arith.constant 0 : i32
    return %arg0, %c0_i32 : i32, i32
  }
  func.func @transform_1(%arg0: i32) -> (i32, i32) {
    %c0_i32 = arith.constant 0 : i32
    %c0_i32_0 = arith.constant 0 : i32
    return %arg0, %c0_i32 : i32, i32
  }
  func.func @transform_2(%arg0: i32) -> (i32, i32) {
    %c0_i32 = arith.constant 0 : i32
    %c0_i32_0 = arith.constant 0 : i32
    %c0_i32_1 = arith.constant 0 : i32
    return %c0_i32, %c0_i32_0 : i32, i32
  }
  func.func @transform_3(%arg0: i32) -> (i32, i32) {
    %c0_i32 = arith.constant 0 : i32
    %c0_i32_0 = arith.constant 0 : i32
    %c0_i32_1 = arith.constant 0 : i32
    return %c0_i32, %c0_i32_0 : i32, i32
  }
  func.func @transform_4(%arg0: i32) -> (i32, i32) {
    %c0_i32 = arith.constant 0 : i32
    %c0_i32_0 = arith.constant 0 : i32
    %c0_i32_1 = arith.constant 0 : i32
    return %c0_i32, %c0_i32_0 : i32, i32
  }
  func.func @transform_5(%arg0: i32) -> (i32, i32) {
    %c0_i32 = arith.constant 0 : i32
    %c0_i32_0 = arith.constant 0 : i32
    return %arg0, %c0_i32 : i32, i32
  }
}

</mosaic_0001>

<sc_bundles>
// kernel: kernel.7.cloned.1.call-start
scs
__scs_entry_jumppad:
0x0: {  	(pc) =	sbr.rel $0x88, $3  }
0x1: {  	(tag) =	ssettag $0x0;
	lr =	simm.s32 $0x1  }
0x2: {  	[smem:$0x3F9A] =	sst lr;
	_ =	strace $0xD0000000  }
0x3: {  	_ = 	snop  }
0x4: {  	_ = 	snop  }
0x5: {  	_ = 	snop  }
0x6: {  	_ = 	snop  }
0x7: {  	_ = 	snop  }
__scs_overlays_trampoline_lowered:
0x8: {  	[smem:$0x3FA9] =	sst s0  }
0x9: {  	[smem:$0x3FAA] =	sst s1  }
0xa: {  	[smem:$0x3FAB] =	sst s2  }
0xb: {  	[smem:$0x3FAC] =	sst s3  }
0xc: {  	[smem:$0x3FAD] =	sst s4  }
0xd: {  	[smem:$0x3FAE] =	sst s5  }
0xe: {  	[smem:$0x3FAF] =	sst s6  }
0xf: {  	[smem:$0x3FB0] =	sst s7  }
0x10: {  	[smem:$0x3FB1] =	sst s8  }
0x11: {  	[smem:$0x3FB2] =	sst s9;
	s0 =	simm.s32 @!p0 $0x0  }
0x12: {  	s1 =	sld [smem:$0x3F98];
	s0 =	simm.s32 @p0 $0x1  }
0x13: {  	[smem:$0x3FB3] =	sst s0;
	s0 =	simm.s32 @!p1 $0x0  }
0x14: {  	s2 =	sld [smem:$0x3F97];
	s0 =	simm.s32 @p1 $0x1  }
0x15: {  	[smem:$0x3FB4] =	sst s0;
	s0 =	simm.s32 @!p2 $0x0  }
0x16: {  	s3 =	sld [smem:$0x3FDB];
	s0 =	simm.s32 @p2 $0x1  }
0x17: {  	s4 =	simm.s32 $0x1BF5;
	[smem:$0x3FB6] =	sst s0  }
0x18: {  	s0 =	sld [smem:$0x3F99];
	_ =	swait.ge [sflag:s4], $0x0  }
0x19: {  	s7 =	sld [smem:$0x3F9A]  }
0x1a: {  	s8 =	sadd.s32 $0xFFFFE003, lr  }
0x1b: {  	s9 =	sadd.s32 $0xFFFFFEF7, lr;
	s5 =	simm.s32 $0xFFFFFFFF;
	p2 =	slt.u32 s8, $0xFFFFF086  }
0x1c: {  	p1 =	slt.u32 s9, $0xF7A;
	s5 =	simm.s32 @!p2 $0x0  }
0x1d: {  	s5 =	simm.s32 @p1 $0x1;
	p0 =	seq.s32 s7, s2  }
0x1e: {  	s7 =	smul.u32 @!p0 $0xF7A, s2;
	p2 =	seq.s32 @!p0 s5, $0x0  }
0x1f: {  	s9 =	smul.u32 $0xF7A, s1;
	s8 =	simm.s32 @!p0 $0x1BF5;
	p2 =	por !p2, p0  }
0x20: {  	[sflag:s8] =	ssyncset.s32 @!p0 $0xFFFFF086;
	s6 =	sadd.s32 @!p0 s3, s7;
	s7 =	simm.s32 @!p0 $0x108  }
0x21: {  	s3 =	sadd.s32 s3, s9;
	s6 =	sadd.s32 @!p0 $0x88, s6;
	s7 =	simm.s32 @p2 $0x1082  }
0x22: {  	[simem:s7], [sflag:s8] =	dma.local @!p0 [hbm:s6], $0xF7A  }
0x23: {  	s9 =	sor.u32 $0xD0000000, s2;
	s6 =	simm.s32 $0x108;
	_ =	swait.ge @!p0 [sflag:s8], $0x0  }
0x24: {  	s3 =	sadd.s32 $0x88, s3;
	s6 =	simm.s32 @!p1 $0x1082;
	[sflag:s4] =	ssyncset.s32 $0xFFFFF086  }
0x25: {  	[simem:s6], [sflag:s4] =	dma.local [hbm:s3], $0xF7A  }
0x26: {  	[smem:$0x3F9A] =	sst s1;
	(tag) =	ssettag s2;
	_ =	strace s9  }
0x27: {  	s1 =	sld [smem:$0x3FAA]  }
0x28: {  	s2 =	sld [smem:$0x3FAB]  }
0x29: {  	s4 =	sld [smem:$0x3FAD]  }
0x2a: {  	p0 =	seq.s32 s5, $0x0;
	s5 =	sld [smem:$0x3FAE]  }
0x2b: {  	s6 =	sld [smem:$0x3FAF]  }
0x2c: {  	s7 =	sld [smem:$0x3FB0]  }
0x2d: {  	s3 =	simm.s32 $0x108;
	s8 =	sld [smem:$0x3FB1]  }
0x2e: {  	s3 =	simm.s32 @!p0 $0x1082;
	s9 =	sld [smem:$0x3FB2]  }
0x2f: {  	lr =	sadd.s32 s0, s3;
	s0 =	sld [smem:$0x3FA9]  }
0x30: {  	s3 =	sld [smem:$0x3FAC]  }
0x31: {  	[smem:$0x3FB5] =	sst s10  }
0x32: {  	s10 =	sld [smem:$0x3FB3];
	_ =	sdelay $0x3  }
0x33: {  	p0 =	seq.s32 s10, $0x1;
	s10 =	sld [smem:$0x3FB5];
	_ =	sdelay $0x3  }
0x34: {  	[smem:$0x3FB5] =	sst s10  }
0x35: {  	s10 =	sld [smem:$0x3FB4];
	_ =	sdelay $0x3  }
0x36: {  	p1 =	seq.s32 s10, $0x1;
	s10 =	sld [smem:$0x3FB5];
	_ =	sdelay $0x3  }
0x37: {  	[smem:$0x3FB5] =	sst s10  }
0x38: {  	s10 =	sld [smem:$0x3FB6]  }
0x39: {  	_ = 	snop;
	(pc) =	sbr.ind lr, $3  }
0x3a: {  	_ = 	snop  }
0x3b: {  	_ = 	snop  }
0x3c: {  	p2 =	seq.s32 s10, $0x1;
	s10 =	sld [smem:$0x3FB5]  }
0x3d: {  	_ =	shalt  }
0x3e: {  	_ =	shalt  }
0x3f: {  	_ =	shalt  }
0x40: {  	_ =	shalt  }
0x41: {  	_ =	shalt  }
0x42: {  	_ =	shalt  }
0x43: {  	_ =	shalt  }
0x44: {  	_ =	shalt  }
0x45: {  	_ =	shalt  }
0x46: {  	_ =	shalt  }
0x47: {  	_ =	shalt  }
0x48: {  	_ =	shalt  }
0x49: {  	_ =	shalt  }
0x4a: {  	_ =	shalt  }
0x4b: {  	_ =	shalt  }
0x4c: {  	_ =	shalt  }
0x4d: {  	_ =	shalt  }
0x4e: {  	_ =	shalt  }
0x4f: {  	_ =	shalt  }
0x50: {  	_ =	shalt  }
0x51: {  	_ =	shalt  }
0x52: {  	_ =	shalt  }
0x53: {  	_ =	shalt  }
0x54: {  	_ =	shalt  }
0x55: {  	_ =	shalt  }
0x56: {  	_ =	shalt  }
0x57: {  	_ =	shalt  }
0x58: {  	_ =	shalt  }
0x59: {  	_ =	shalt  }
0x5a: {  	_ =	shalt  }
0x5b: {  	_ =	shalt  }
0x5c: {  	_ =	shalt  }
0x5d: {  	_ =	shalt  }
0x5e: {  	_ =	shalt  }
0x5f: {  	_ =	shalt  }
0x60: {  	_ =	shalt  }
0x61: {  	_ =	shalt  }
0x62: {  	_ =	shalt  }
0x63: {  	_ =	shalt  }
0x64: {  	_ =	shalt  }
0x65: {  	_ =	shalt  }
0x66: {  	_ =	shalt  }
0x67: {  	_ =	shalt  }
0x68: {  	_ =	shalt  }
0x69: {  	_ =	shalt  }
0x6a: {  	_ =	shalt  }
0x6b: {  	_ =	shalt  }
0x6c: {  	_ =	shalt  }
0x6d: {  	_ =	shalt  }
0x6e: {  	_ =	shalt  }
0x6f: {  	_ =	shalt  }
0x70: {  	_ =	shalt  }
0x71: {  	_ =	shalt  }
0x72: {  	_ =	shalt  }
0x73: {  	_ =	shalt  }
0x74: {  	_ =	shalt  }
0x75: {  	_ =	shalt  }
0x76: {  	_ =	shalt  }
0x77: {  	_ =	shalt  }
0x78: {  	_ =	shalt  }
0x79: {  	_ =	shalt  }
0x7a: {  	_ =	shalt  }
0x7b: {  	_ =	shalt  }
0x7c: {  	_ =	shalt  }
0x7d: {  	_ =	shalt  }
0x7e: {  	_ =	shalt  }
0x7f: {  	_ =	shalt  }
0x80: {  	_ =	shalt  }
0x81: {  	_ =	shalt  }
0x82: {  	_ =	shalt  }
0x83: {  	_ =	shalt  }
0x84: {  	_ =	shalt  }
0x85: {  	_ =	shalt  }
0x86: {  	_ =	shalt  }
0x87: {  	_ =	shalt  }
.Lfunc_end0:
.L_simem_size_0:
called_computation_lowered:
.L_overlay_start_0:
0x88: {  	s2 =	sld [smem:$0x3FD9]  }
0x89: {  	s3 =	sld [smem:$0x3FFE];
	_ =	sdelay $0x1  }
0x8a: {  	s1 =	srdreg.scid  }
0x8b: {  	s0 =	sand.u32 $0x1, s1  }
0x8c: {  	s17 =	sshll.u32 s0, $0xA;
	s2 =	sadd.s32 s3, s2  }
0x8d: {  	s2 =	sadd.s32 s2, s17  }
0x8e: {  	[smem:$0x3FC1] =	sst s2  }
0x8f: {  	_ = 	snop  }
0x90: {  	s2 =	sld [smem:$0x3FD0];
	(tm) =	ssettm $0x1  }
0x91: {  	s18 =	sld [smem:$0x3FFB];
	_ =	sdelay $0x3  }
0x92: {  	_ =	strace s18  }
0x93: {  	s3 =	sld [smem:$0x3FFC];
	_ =	sdelay $0x3  }
0x94: {  	_ =	strace s3  }
0x95: {  	s3 =	sld [smem:$0x3FFD];
	_ =	sdelay $0x3  }
0x96: {  	_ =	strace s3  }
0x97: {  	_ =	strace $0x8FFFFFFF  }
0x98: {  	s19 =	sld [smem:$0x3FDB];
	_ =	sdelay $0x1  }
0x99: {  	s4 =	simm.s32 $_scs_section_size  }
0x9a: {  	s5 =	simm.s32 $_size__tile_overlayer_lowered;
	s6 =	simm.s32 $_tile_overlayer_lowered  }
0x9b: {  	s22 =	simm.s32 $0x1BFF;
	s21 =	sshll.u32 s6, $0x1;
	s3 =	sadd.s32 s4, s19  }
0x9c: {  	s7 =	simm.s32 $0x0;
	s20 =	sshll.u32 s5, $0x1;
	s5 =	sadd.s32 s21, s3  }
0x9d: {  	[timem:s7], [sflag:s22] =	dma.local [hbm:s5], s20  }
0x9e: {  	_ =	swait.ge [sflag:s22], s20  }
0x9f: {  	s4 =	ssub.s32 $0x0, s20;
	[sflag:s22] =	ssyncset.done $0x0  }
0xa0: {  	[sflag:s22] =	ssyncadd.s32 s4;
	_ =	sdelay $0x1  }
0xa1: {  	s23 =	simm.s32 $0x1B8B  }
0xa2: {  	_ =	swait.ge [sflag:s23], $0x1  }
0xa3: {  	[sflag:s23] =	ssyncset.done $0x0  }
0xa4: {  	s25 =	simm.s32 $0x1B8E;
	s24 =	sld [smem:$0x3FFE];
	[sflag:s23] =	ssyncadd.s32 $0xFFFFFFFF  }
0xa5: {  	s26 =	simm.s32 $execute0_lowered;
	[smem:$0x3FD2] =	sst s25  }
0xa6: {  	s5 =	sshll.u32 s26, $0x1;
	_ =	strace $0x80000046;
	[dreg:$0x1] =	wrdreg $0xFFFFFFFF  }
0xa7: {  	s28 =	simm.s32 $_size_execute0_lowered;
	s3 =	sadd.s32 s3, s5;
	[dreg:$0x0] =	wrdreg $0x0  }
0xa8: {  	s5 =	sshll.u32 s28, $0x1;
	[dreg:$0x2] =	wrdreg s3  }
0xa9: {  	[dreg:$0x3] =	wrdreg s5  }
0xaa: {  	[dreg:$0x4] =	wrdreg $0xC0  }
0xab: {  	_ =	task [dreg:s7], $0x5FFFF  }
0xac: {  	[dreg:$0x1] =	wrdreg $0xFFFFFFFF  }
0xad: {  	[dreg:$0x0] =	wrdreg $0x60  }
0xae: {  	[dreg:$0x2] =	wrdreg s24  }
0xaf: {  	[dreg:$0x3] =	wrdreg s2  }
0xb0: {  	[dreg:$0x4] =	wrdreg $0x9  }
0xb1: {  	_ =	task.clear_ibuf [dreg:s7], $0x5FFFF;
	_ =	strace $0x90000046  }
0xb2: {  	s29 =	simm.s32 $0x9;
	_ =	strace $0x80000048  }
0xb3: {  	_ =	swait.ge [sflag:s29], $0x1  }
0xb4: {  	[sflag:s29] =	ssyncadd.s32 $0xFFFFFFFF  }
0xb5: {  	_ =	strace $0x90000048  }
0xb6: {  	_ =	sfence  }
0xb7: {  	s30 =	sld [smem:$0x0];
	_ =	sdelay $0x2  }
0xb8: {  	s31 =	sshll.u32 s1, $0xD;
	s1 =	sshrl.u32 s1, $0x2  }
0xb9: {  	s3 =	sand.u32 $0x4000, s31;
	s1 =	sadd.s32 s1, s30  }
0xba: {  	s0 =	sor.u32 s3, s0;
	s1 =	sshll.u32 s1, $0x11  }
0xbb: {  	s0 =	sor.u32 s1, s0  }
0xbc: {  	s0 =	sadd.s32 $0x8F2B, s0  }
0xbd: {  	[sflag:s0] =	ssyncadd.remote.s32 $0x1  }
0xbe: {  	_ =	sfence.sel $0xFFFF  }
0xbf: {  	[dreg:$0x0] =	wrdreg $0xFFFFFFFF;
	(pc) =	sbr.abs _section_cstart, $3  }
0xc0: {  	[dreg:$0x1] =	wrdreg $0xFFFFFFFF  }
0xc1: {  	_ =	task.clear_ibuf [dreg:s7], $0x2FFFF;
	_ =	strace $0x9FFFFFFF  }
0xc2: {  	(tm) =	ssettm $0x7FFFFFFF  }
0xc3: {  	_ =	shalt  }
tec
execute0_lowered:
.L_overlay_start_1:
0x0: {  	(tag) =	ssettag $0x1  }
0x1: {  	s0 =	rddreg [dreg:$0x0]  }
0x2: {  	s1 =	rddreg [dreg:$0x1]  }
0x3: {  	s2 =	simm.s32 $0x0;
	s3 =	srdreg.scid;
	s6 =	stileid.u32  }
0x4: {  	s28 =	simm.s32 $0x11800;
	s29 =	simm.s32 $0x15000;
	s30 =	simm.s32 $0x15400  }
0x5: {  	s31 =	simm.s32 $0x14000;
	[smem:$0x7FF] =	sst s2;
	s4 =	sadd.s32 $0x3A00, s0  }
0x6: {  	s19 =	sadd.s32 $0x4000, s0;
	s3 =	sand.u32 $0x1, s3;
	s20 =	sadd.s32 $0x4600, s0  }
0x7: {  	s5 =	sadd.s32 $0x4C00, s0;
	_ =	strace $0x80000047;
	[dreg:$0x3] =	wrdreg s4  }
0x8: {  	s22 =	sadd.s32 $0x5200, s0;
	s23 =	sadd.s32 $0x5800, s0;
	[dreg:$0x4] =	wrdreg s19  }
0x9: {  	s24 =	sadd.s32 $0x5E00, s0;
	s11 =	sadd.s32 $0x6400, s0;
	[dreg:$0x5] =	wrdreg s20  }
0xa: {  	s12 =	sadd.s32 $0x67A00, s0;
	s13 =	sadd.s32 $0x71A00, s0;
	[dreg:$0x6] =	wrdreg s5  }
0xb: {  	s14 =	sadd.s32 $0x7BA00, s0;
	s15 =	sadd.s32 $0x53A00, s0;
	[dreg:$0x7] =	wrdreg s22  }
0xc: {  	s16 =	sadd.s32 $0x5DA00, s0;
	s21 =	sshll.u32 s3, $0x4;
	[dreg:$0x8] =	wrdreg s23  }
0xd: {  	[dreg:$0x9] =	wrdreg s24;
	s3 =	ssub.s32 $0x2, s3;
	s20 =	simm.s32 $0x1  }
0xe: {  	s22 =	simm.s32 $0x5000;
	s23 =	simm.s32 $0x7800;
	s4 =	sor.u32 s6, s21  }
0xf: {  	s24 =	simm.s32 $0xA000;
	s6 =	sshll.u32 s6, $0x7;
	s25 =	sshrl.u32 s4, $0x3  }
0x10: {  	s26 =	sshrl.u32 s3, $0x1;
	s21 =	simm.s32 $0x2800;
	s5 =	smul.u32 $0x50000, s25  }
0x11: {  	s6 =	sand.u32 $0x380, s6;
	s3 =	ssub.s32 s3, s26;
	s17 =	smul.u32 $0x2800, s4  }
0x12: {  	s26 =	simm.s32 $0xF000;
	s4 =	simm.s32 $0x14C00;
	s5 =	sor.u32 s6, s5  }
0x13: {  	s19 =	smax.u32 s3, $0x1;
	s25 =	simm.s32 $0xC800;
	s5 =	sshrl.u32 s5, $0x3  }
0x14: {  	s3 =	simm.s32 $0x14800;
	s6 =	simm.s32 $0x0;
	s0 =	sadd.s32 s5, s0  }
0x15: {  	v0 =	vimm.f32 $0.0e+00;
	s5 =	simm.s32 $0x15800;
	s18 =	sadd.s32 $0x6A00, s0;
	s0 =	simm.s32 $0x14400  }
.LBB2_1:
0x16: {  	s7 =	simm.s32 $0x0;
	s8 =	simm.s32 $0x200  }
.LBB2_2:
0x17: {  	p0 =	sne.s32 s8, $0x27E00;
	[tilespmem:s7+$0x15870] =	vst v0  }
0x18: {  	[tilespmem:s7+$0x15800] =	vst v0  }
0x19: {  	[tilespmem:s7+$0x15810] =	vst v0  }
.Ltmp0:
0x1a: {  	[tilespmem:s7+$0x15820] =	vst v0;
	(pc) =	sbr.rel @p0 .LBB2_2-.Ltmp0, $4  }
0x1b: {  	[tilespmem:s7+$0x15830] =	vst v0  }
0x1c: {  	[tilespmem:s7+$0x15840] =	vst v0  }
0x1d: {  	[tilespmem:s7+$0x15850] =	vst v0  }
0x1e: {  	[tilespmem:s7+$0x15860] =	vst v0;
	s7 =	sshra.s32 s8, $0x2;
	s8 =	sadd.s32 $0x200, s8  }
0x1f: {  	[tilespmem:s7+$0x15870] =	vst v0  }
0x20: {  	[tilespmem:s7+$0x15800] =	vst v0  }
0x21: {  	[tilespmem:s7+$0x15810] =	vst v0  }
0x22: {  	[tilespmem:s7+$0x15820] =	vst v0  }
0x23: {  	[tilespmem:s7+$0x15830] =	vst v0  }
0x24: {  	[tilespmem:s7+$0x15840] =	vst v0  }
0x25: {  	[tilespmem:s7+$0x15850] =	vst v0  }
0x26: {  	[tilespmem:s7+$0x15860] =	vst v0;
	s7 =	simm.s32 $0x0;
	s8 =	rddreg [dreg:$0x3]  }
0x27: {  	[tilespmem:s7], [sflag:$0x1] =	stream.linear.gather [hbm4b:s8+s7], $0x2800, $0x38;
	[tilespmem:$0x1F800] =	vst v63  }
0x28: {  	_ =	swait.ge [sflag:s20], $0x2800  }
0x29: {  	[sflag:s20] =	ssyncset.done $0x0  }
0x2a: {  	s9 =	rddreg [dreg:$0x4];
	[sflag:s20] =	ssyncadd.s32 $0xFFFFD800  }
0x2b: {  	[tilespmem:s21], [sflag:$0x1] =	stream.linear.gather [hbm4b:s9+s7], $0x2800, $0x38;
	[tilespmem:$0x1F800] =	vst v63  }
0x2c: {  	_ =	swait.ge [sflag:s20], $0x2800  }
0x2d: {  	[sflag:s20] =	ssyncset.done $0x0  }
0x2e: {  	s10 =	rddreg [dreg:$0x5];
	[sflag:s20] =	ssyncadd.s32 $0xFFFFD800  }
0x2f: {  	[tilespmem:s22], [sflag:$0x1] =	stream.linear.gather [hbm4b:s10+s7], $0x2800, $0x38;
	[tilespmem:$0x1F800] =	vst v63  }
0x30: {  	_ =	swait.ge [sflag:s20], $0x2800  }
0x31: {  	[sflag:s20] =	ssyncset.done $0x0  }
0x32: {  	s9 =	rddreg [dreg:$0x6];
	[sflag:s20] =	ssyncadd.s32 $0xFFFFD800  }
0x33: {  	[tilespmem:s23], [sflag:$0x1] =	stream.linear.gather [hbm4b:s9+s7], $0x2800, $0x38;
	[tilespmem:$0x1F800] =	vst v63  }
0x34: {  	_ =	swait.ge [sflag:s20], $0x2800  }
0x35: {  	[sflag:s20] =	ssyncset.done $0x0  }
0x36: {  	s10 =	rddreg [dreg:$0x7];
	[sflag:s20] =	ssyncadd.s32 $0xFFFFD800  }
0x37: {  	[tilespmem:s24], [sflag:$0x1] =	stream.linear.gather [hbm4b:s10+s7], $0x2800, $0x38;
	[tilespmem:$0x1F800] =	vst v63  }
0x38: {  	_ =	swait.ge [sflag:s20], $0x2800  }
0x39: {  	[sflag:s20] =	ssyncset.done $0x0  }
0x3a: {  	s9 =	rddreg [dreg:$0x8];
	[sflag:s20] =	ssyncadd.s32 $0xFFFFD800  }
0x3b: {  	[tilespmem:s25], [sflag:$0x1] =	stream.linear.gather [hbm4b:s9+s7], $0x2800, $0x38;
	[tilespmem:$0x1F800] =	vst v63  }
0x3c: {  	_ =	swait.ge [sflag:s20], $0x2800  }
0x3d: {  	[sflag:s20] =	ssyncset.done $0x0  }
0x3e: {  	s10 =	rddreg [dreg:$0x9];
	[sflag:s20] =	ssyncadd.s32 $0xFFFFD800  }
0x3f: {  	[tilespmem:s26], [sflag:$0x1] =	stream.linear.gather [hbm4b:s10+s7], $0x2800, $0x38;
	[tilespmem:$0x1F800] =	vst v63  }
0x40: {  	_ =	swait.ge [sflag:s20], $0x2800  }
0x41: {  	[sflag:s20] =	ssyncset.done $0x0  }
0x42: {  	[sflag:s20] =	ssyncadd.s32 $0xFFFFD800  }
0x43: {  	[tilespmem:s28], [sflag:$0x1] =	stream.linear.gather [hbm4b:s11+s7], $0x2800, $0x38;
	[tilespmem:$0x1F800] =	vst v63  }
0x44: {  	_ =	swait.ge [sflag:s20], $0x2800  }
0x45: {  	[sflag:s20] =	ssyncset.done $0x0  }
0x46: {  	s8 =	simm.s32 $0x0;
	[sflag:s20] =	ssyncadd.s32 $0xFFFFD800  }
.LBB2_4:
0x47: {  	s9 =	sshll.u32 s8, $0xA  }
0x48: {  	s9 =	sadd.s32 s17, s9  }
0x49: {  	s9 =	sshrl.u32 s9, $0x3  }
0x4a: {  	s10 =	sadd.s32 s15, s9  }
0x4b: {  	[tilespmem:s29], [sflag:$0x1] =	stream.linear.gather [hbm4b:s10+s7], $0x400, $0x38;
	[tilespmem:$0x1F800] =	vst v63  }
0x4c: {  	_ =	swait.ge [sflag:s20], $0x400  }
0x4d: {  	[sflag:s20] =	ssyncset.done $0x0  }
0x4e: {  	s10 =	sadd.s32 s16, s9;
	[sflag:s20] =	ssyncadd.s32 $0xFFFFFC00  }
0x4f: {  	[tilespmem:s30], [sflag:$0x1] =	stream.linear.gather [hbm4b:s10+s7], $0x400, $0x38;
	[tilespmem:$0x1F800] =	vst v63  }
0x50: {  	_ =	swait.ge [sflag:s20], $0x400  }
0x51: {  	[sflag:s20] =	ssyncset.done $0x0  }
0x52: {  	s10 =	sadd.s32 s1, s9;
	[sflag:s20] =	ssyncadd.s32 $0xFFFFFC00  }
0x53: {  	[tilespmem:s31], [sflag:$0x1] =	stream.linear.gather [hbm4b:s10+s7], $0x400, $0x38;
	[tilespmem:$0x1F800] =	vst v63  }
0x54: {  	_ =	swait.ge [sflag:s20], $0x400  }
0x55: {  	[sflag:s20] =	ssyncset.done $0x0  }
0x56: {  	s10 =	sadd.s32 s12, s9;
	[sflag:s20] =	ssyncadd.s32 $0xFFFFFC00  }
0x57: {  	[tilespmem:s0], [sflag:$0x1] =	stream.linear.gather [hbm4b:s10+s7], $0x400, $0x38;
	[tilespmem:$0x1F800] =	vst v63  }
0x58: {  	_ =	swait.ge [sflag:s20], $0x400  }
0x59: {  	[sflag:s20] =	ssyncset.done $0x0  }
0x5a: {  	s10 =	sadd.s32 s13, s9;
	[sflag:s20] =	ssyncadd.s32 $0xFFFFFC00  }
0x5b: {  	[tilespmem:s3], [sflag:$0x1] =	stream.linear.gather [hbm4b:s10+s7], $0x400, $0x38;
	[tilespmem:$0x1F800] =	vst v63  }
0x5c: {  	_ =	swait.ge [sflag:s20], $0x400  }
0x5d: {  	[sflag:s20] =	ssyncset.done $0x0  }
0x5e: {  	s9 =	sadd.s32 s14, s9;
	[sflag:s20] =	ssyncadd.s32 $0xFFFFFC00  }
0x5f: {  	[tilespmem:s4], [sflag:$0x1] =	stream.linear.gather [hbm4b:s9+s7], $0x400, $0x38;
	[tilespmem:$0x1F800] =	vst v63  }
0x60: {  	_ =	swait.ge [sflag:s20], $0x400  }
0x61: {  	[sflag:s20] =	ssyncset.done $0x0  }
0x62: {  	s10 =	simm.s32 $0x0;
	[sflag:s20] =	ssyncadd.s32 $0xFFFFFC00  }
0x63: {  	v5 =	vld [tilespmem:s10+$0x15000];
	_ =	sdelay $0x3  }
0x64: {  	v1 =	vld [tilespmem:s10+$0x15400];
	_ =	sdelay $0x1  }
0x65: {  	v2 =	vld [tilespmem:s10+$0x14C00]  }
0x66: {  	v11 =	vld [tilespmem:s10+$0x14400]  }
0x67: {  	v3 =	vld.idx.msk [tilespmem:v5+s2+$0x0], $0xffff  }
0x68: {  	v4 =	vld.idx.msk [tilespmem:v5+s23+$0x0], $0xffff  }
0x69: {  	v6 =	vld.idx.msk [tilespmem:v5+s21+$0x0], $0xffff  }
0x6a: {  	v7 =	vld.idx.msk [tilespmem:v5+s22+$0x0], $0xffff  }
0x6b: {  	v8 =	vld.idx.msk [tilespmem:v1+s28+$0x0], $0xffff  }
0x6c: {  	v9 =	vld.idx.msk [tilespmem:v1+s25+$0x0], $0xffff  }
0x6d: {  	v10 =	vld.idx.msk [tilespmem:v1+s26+$0x0], $0xffff  }
0x6e: {  	v1 =	vld.idx.msk [tilespmem:v1+s24+$0x0], $0xffff  }
0x6f: {  	v12 =	vld [tilespmem:s10+$0x14800]  }
0x70: {  	v13 =	vld [tilespmem:s10+$0x14000]  }
0x71: {  	v4 =	vadd.f32 v8, v4  }
0x72: {  	v6 =	vadd.f32 v9, v6;
	v7 =	vadd.f32 v10, v7  }
0x73: {  	v1 =	vadd.f32 v1, v3;
	v2 =	vadd.f32 v2, v4  }
0x74: {  	v3 =	vadd.f32 v11, v6  }
0x75: {  	v4 =	vadd.f32 v12, v7;
	v1 =	vadd.f32 v13, v1;
	v6 =	vmul.f32 $9.999999770e-03, v2  }
0x76: {  	v7 =	vmul.f32 $9.999999770e-03, v3;
	vm0 =	vge.f32 v2, $0.0e+00  }
0x77: {  	v63 =	vmul.f32 $9.999999770e-03, v4;
	v2 =	vsel vm0, v2, v6;
	v6 =	vmul.f32 $9.999999770e-03, v1  }
0x78: {  	vm15 =	vge.f32 v4, $0.0e+00;
	vm1 =	vge.f32 v1, $0.0e+00;
	vm2 =	vge.f32 v3, $0.0e+00  }
0x79: {  	v4 =	vsel vm15, v4, v63;
	v3 =	vsel vm2, v3, v7;
	v1 =	vsel vm1, v1, v6  }
0x7a: {  	v7 =	vmax.f32 v4, v2;
	v6 =	vmax.f32 v1, v3  }
0x7b: {  	v6 =	vmax.f32 v6, v7  }
0x7c: {  	v1 =	vsub.f32 v1, v6  }
0x7d: {  	v3 =	vsub.f32 v3, v6  }
0x7e: {  	v1 =	vmul.f32 $1.442695020e+00, v1  }
0x7f: {  	v3 =	vmul.f32 $1.442695020e+00, v3  }
0x80: {  	v4 =	vsub.f32 v4, v6;
	(erf) = vpow2.f32 v1  }
0x81: {  	(erf) = vpow2.f32 v3  }
0x82: {  	v1 =	vsub.f32 v2, v6;
	v2 =	vmul.f32 $1.442695020e+00, v4;
	_ =	sdelay $0x1  }
0x83: {  	v1 =	vmul.f32 $1.442695020e+00, v1;
	(erf) = vpow2.f32 v2;
	_ =	sdelay $0x1  }
0x84: {  	(erf) = vpow2.f32 v1;
	_ =	sdelay $0x2  }
0x85: {  	v1 =	vpop (erf)  }
0x86: {  	v2 =	vpop (erf)  }
0x87: {  	v4 =	vadd.f32 v2, v1;
	_ =	sdelay $0x1  }
0x88: {  	v3 =	vpop (erf)  }
0x89: {  	v6 =	vadd.f32 v4, v3  }
0x8a: {  	v4 =	vpop (erf)  }
0x8b: {  	v6 =	vadd.f32 v6, v4;
	_ =	sdelay $0x1  }
0x8c: {  	(erf) = vrcp.f32 v6;
	_ =	sdelay $0x5  }
0x8d: {  	s9 =	simm.s32 $0x40;
	v5 =	vshll.u32 v5, $0x2  }
.LBB2_5:
0x8e: {  	p0 =	sne.s32 s9, $0xFC0;
	v6 =	vor.u32 $0x1, v5;
	s10 =	smov.u32 s9;
	s9 =	sadd.s32 $0x40, s9  }
0x8f: {  	v7 =	vor.u32 $0x2, v5  }
0x90: {  	v8 =	vor.u32 $0x3, v5;
	v9 =	vpop (erf)  }
0x91: {  	v1 =	vmul.f32 v9, v1;
	v2 =	vmul.f32 v9, v2  }
0x92: {  	v3 =	vmul.f32 v9, v3  }
0x93: {  	[tilespmem:v5+s5+$0x0] =	vst.idx.add.f32.msk $0xffff, v1;
	v1 =	vmul.f32 v9, v4  }
0x94: {  	[tilespmem:v6+s5+$0x0] =	vst.idx.add.f32.msk $0xffff, v2  }
0x95: {  	[tilespmem:v7+s5+$0x0] =	vst.idx.add.f32.msk $0xffff, v3  }
0x96: {  	s10 =	sshra.s32 s10, $0x2;
	[tilespmem:v8+s5+$0x0] =	vst.idx.add.f32.msk $0xffff, v1  }
0x97: {  	v5 =	vld [tilespmem:s10+$0x15000]  }
0x98: {  	v1 =	vld [tilespmem:s10+$0x15400];
	_ =	sdelay $0x5  }
0x99: {  	v2 =	vld [tilespmem:s10+$0x14C00]  }
0x9a: {  	v3 =	vld.idx.msk [tilespmem:v5+s2+$0x0], $0xffff  }
0x9b: {  	v4 =	vld.idx.msk [tilespmem:v5+s23+$0x0], $0xffff  }
0x9c: {  	v6 =	vld.idx.msk [tilespmem:v5+s21+$0x0], $0xffff  }
0x9d: {  	v7 =	vld.idx.msk [tilespmem:v5+s22+$0x0], $0xffff  }
0x9e: {  	v8 =	vld.idx.msk [tilespmem:v1+s28+$0x0], $0xffff  }
0x9f: {  	v9 =	vld.idx.msk [tilespmem:v1+s25+$0x0], $0xffff  }
0xa0: {  	v10 =	vld.idx.msk [tilespmem:v1+s26+$0x0], $0xffff  }
0xa1: {  	v1 =	vld.idx.msk [tilespmem:v1+s24+$0x0], $0xffff  }
0xa2: {  	v11 =	vld [tilespmem:s10+$0x14400]  }
0xa3: {  	v12 =	vld [tilespmem:s10+$0x14800]  }
0xa4: {  	v4 =	vadd.f32 v8, v4;
	v13 =	vld [tilespmem:s10+$0x14000]  }
0xa5: {  	v6 =	vadd.f32 v9, v6  }
0xa6: {  	v7 =	vadd.f32 v10, v7;
	v2 =	vadd.f32 v2, v4  }
0xa7: {  	v1 =	vadd.f32 v1, v3;
	v3 =	vadd.f32 v11, v6  }
0xa8: {  	v6 =	vmul.f32 $9.999999770e-03, v2;
	v4 =	vadd.f32 v12, v7  }
0xa9: {  	vm0 =	vge.f32 v2, $0.0e+00;
	v1 =	vadd.f32 v13, v1;
	v7 =	vmul.f32 $9.999999770e-03, v3  }
0xaa: {  	v2 =	vsel vm0, v2, v6;
	v8 =	vmul.f32 $9.999999770e-03, v4  }
0xab: {  	vm0 =	vge.f32 v4, $0.0e+00;
	v6 =	vmul.f32 $9.999999770e-03, v1  }
0xac: {  	vm2 =	vge.f32 v3, $0.0e+00;
	vm1 =	vge.f32 v1, $0.0e+00;
	v4 =	vsel vm0, v4, v8  }
0xad: {  	v3 =	vsel vm2, v3, v7;
	v1 =	vsel vm1, v1, v6  }
0xae: {  	v7 =	vmax.f32 v4, v2;
	v6 =	vmax.f32 v1, v3  }
0xaf: {  	v6 =	vmax.f32 v6, v7  }
0xb0: {  	v1 =	vsub.f32 v1, v6;
	v3 =	vsub.f32 v3, v6  }
0xb1: {  	v4 =	vsub.f32 v4, v6;
	v2 =	vsub.f32 v2, v6  }
0xb2: {  	v1 =	vmul.f32 $1.442695020e+00, v1;
	v3 =	vmul.f32 $1.442695020e+00, v3  }
0xb3: {  	v4 =	vmul.f32 $1.442695020e+00, v4;
	v2 =	vmul.f32 $1.442695020e+00, v2  }
0xb4: {  	(erf) = vpow2.f32 v1  }
0xb5: {  	(erf) = vpow2.f32 v3  }
0xb6: {  	(erf) = vpow2.f32 v4;
	_ =	sdelay $0x1  }
0xb7: {  	(erf) = vpow2.f32 v2;
	_ =	sdelay $0x4  }
0xb8: {  	v1 =	vpop (erf)  }
0xb9: {  	v2 =	vpop (erf)  }
0xba: {  	v7 =	vadd.f32 v2, v1;
	v3 =	vpop (erf);
	_ =	sdelay $0x1  }
0xbb: {  	v6 =	vadd.f32 v7, v3;
	v4 =	vpop (erf);
	_ =	sdelay $0x1  }
0xbc: {  	v6 =	vadd.f32 v6, v4;
	_ =	sdelay $0x1  }
0xbd: {  	(erf) = vrcp.f32 v6;
	_ =	sdelay $0x1  }
.Ltmp1:
0xbe: {  	(pc) =	sbr.rel @p0 .LBB2_5-.Ltmp1, $2  }
0xbf: {  	_ =	sdelay $0x2  }
0xc0: {  	v5 =	vshll.u32 v5, $0x2  }
0xc1: {  	_ = 	snop  }
0xc2: {  	v6 =	vor.u32 $0x1, v5  }
0xc3: {  	v7 =	vor.u32 $0x2, v5;
	s8 =	sadd.s32 $0x1, s8;
	v8 =	vpop (erf)  }
0xc4: {  	v9 =	vor.u32 $0x3, v5;
	p0 =	sne.s32 s8, $0xA;
	v1 =	vmul.f32 v8, v1  }
.Ltmp2:
0xc5: {  	v2 =	vmul.f32 v8, v2;
	(pc) =	sbr.rel @p0 .LBB2_4-.Ltmp2, $4  }
0xc6: {  	v3 =	vmul.f32 v8, v3;
	[tilespmem:v5+s5+$0x0] =	vst.idx.add.f32.msk $0xffff, v1  }
0xc7: {  	v1 =	vmul.f32 v8, v4;
	[tilespmem:v6+s5+$0x0] =	vst.idx.add.f32.msk $0xffff, v2  }
0xc8: {  	[tilespmem:v7+s5+$0x0] =	vst.idx.add.f32.msk $0xffff, v3  }
0xc9: {  	[tilespmem:v9+s5+$0x0] =	vst.idx.add.f32.msk $0xffff, v1  }
0xca: {  	s6 =	sadd.s32 $0x1, s6  }
0xcb: {  	p0 =	sne.s32 s6, s19  }
.Ltmp3:
0xcc: {  	s7 =	simm.s32 $0x80;
	s8 =	simm.s32 $0x400;
	(pc) =	sbr.rel @p0 .LBB2_1-.Ltmp3, $4  }
0xcd: {  	[hbm4b:s18+s7] =	stream.strided.scatter [tilespmem:s5], [sflag:$0x1], $0xA000, s8, s7, $0x38;
	[tilespmem:$0x1F800] =	vst v63  }
0xce: {  	_ =	swait.ge [sflag:s20], $0xA000  }
0xcf: {  	[sflag:s20] =	ssyncset.done $0x0  }
0xd0: {  	[sflag:s20] =	ssyncadd.s32 $0xFFFF6000  }
0xd1: {  	_ =	sfence.sel $0x180000  }
0xd2: {  	[bflag:$0x0] =	sbarrier.arrive $0xFFFF  }
0xd3: {  	_ =	strace $0x90000047  }
0xd4: {  	s0 =	stileid.u32;
	[bflag:$0x2] =	sbarrier.arrive $0xFFFF  }
0xd5: {  	p0 =	sne.s32 s0, $0x0;
	s0 =	rddreg [dreg:$0x2]  }
0xd6: {  	s0 =	sadd.s32 @!p0 $0x100000, s0  }
0xd7: {  	[sflag:s0] =	ssyncadd.tile.s32 @!p0 $0x1;
	_ =	shalt  }
.Lfunc_end2:
_tile_overlayer_lowered:
.L_overlay_start_2:
0xd8: {  	(tag) =	ssettag $0x2  }
0xd9: {  	s0 =	rddreg [dreg:$0x0];
	s2 =	stileid.u32  }
0xda: {  	s1 =	rddreg [dreg:$0x1];
	p0 =	sne.s32 s2, $0x0  }
0xdb: {  	s3 =	rddreg [dreg:$0x2];
	[bflag:$0x3] =	sbarrier.arrive $0xFFFF;
	s2 =	simm.s32 @!p0 $0x1C01  }
0xdc: {  	[timem:s3], [sflag:s2] =	dma.local @!p0 [hbm:s0], s1  }
0xdd: {  	s0 =	simm.s32 @!p0 $0x1  }
0xde: {  	_ =	swait.ge @!p0 [sflag:s0], s1  }
0xdf: {  	s1 =	ssub.s32 @!p0 $0x0, s1;
	[sflag:s0] =	ssyncset.done @!p0 $0x0  }
0xe0: {  	[sflag:s0] =	ssyncadd.s32 @!p0 s1  }
0xe1: {  	[bflag:$0x3] =	sbarrier.arrive $0xFFFF  }
0xe2: {  	_ =	shalt  }

</sc_bundles>
